<compile_context>
chip_gen: v7x
topology: tpu7x:2x2x1
jax: 0.10.2.dev20260603
libtpu: 0.0.44.dev20260713+nightly
codegen_flags: <defaults>
</compile_context>

<pallas_src>
import jax
import jax.numpy as jnp
from jax.experimental import pallas as pl
from jax.experimental.pallas import tpu as pltpu
from jax.experimental.pallas import tpu_sc as plsc

_NUM_HEADS = 16
_H = 32
_W = 32
_D = 2 * _W - 1
_NTOK = _H * _W
_WIDE_PAD = 3976


def _sc_body(wide_hbm, out_hbm, wide_v, band_v, sem):
    n = jax.lax.axis_index("s")
    half = jax.lax.axis_index("c")
    row0 = half * 16

    pltpu.sync_copy(wide_hbm.at[n], wide_v)

    copies = []
    for ih in range(_H):
        copies.append(
            pltpu.async_copy(
                band_v,
                out_hbm.at[0, n, pl.ds(ih * 32 + row0, 16), :],
                sem,
            )
        )
    for cp in copies:
        cp.wait()


def kernel(relative_position_bias_table, h, w):
    del h, w
    wide = jnp.pad(
        jnp.flip(relative_position_bias_table, 0).T,
        ((0, 0), (0, _WIDE_PAD - _D * _D)),
    )
    mesh = plsc.VectorSubcoreMesh(
        core_axis_name="c", subcore_axis_name="s", num_cores=2, num_subcores=16
    )
    out = pl.kernel(
        _sc_body,
        out_type=jax.ShapeDtypeStruct(
            (1, _NUM_HEADS, _NTOK, _NTOK), jnp.float32
        ),
        mesh=mesh,
        scratch_types=[
            pltpu.VMEM((_WIDE_PAD,), jnp.float32),
            pltpu.VMEM((16, _NTOK), jnp.float32),
            pltpu.SemaphoreType.DMA,
        ],
        compiler_params=pltpu.CompilerParams(use_tc_tiling_on_sc=False),
    )(wide)
    return out

# --- scband reference (transcript-rebuilt; emitter-appended) ---
"""Pipeline reference for scband-relative-position-bias-36610301231633 (READ-ONLY COPY).

The authoritative reference and input builder live on the scoring server;
editing this copy changes nothing except your own understanding.
"""

import jax, jax.numpy as jnp
import numpy as np

NUM_HEADS = 16
H = 32
W = 32


def setup_inputs(seed: int = 0) -> dict:
    key = jax.random.key(seed)
    num_relative_distance = (2 * H - 1) * (2 * W - 1)
    table = jax.random.truncated_normal(
        key, -2.0, 2.0, (num_relative_distance, NUM_HEADS), dtype=jnp.float32
    ) * 0.02
    return {"relative_position_bias_table": table, "h": 32, "w": 32}


def _make_index(h, w):
    zero = (h + w) * 0
    coords = jnp.stack(jnp.meshgrid(jnp.arange(H) + zero, jnp.arange(W) + zero, indexing='ij'))
    coords_flatten = coords.reshape(2, -1)
    relative_coords = coords_flatten[:, :, None] - coords_flatten[:, None, :]
    relative_coords = jnp.transpose(relative_coords, (1, 2, 0))
    r0 = jnp.clip(relative_coords[..., 0] + (H - 1), 0, 2 * H - 2)
    r1 = jnp.clip(relative_coords[..., 1] + (W - 1), 0, 2 * W - 2)
    index = r0 * (2 * W - 1) + r1
    return index


def reference(relative_position_bias_table, h, w):
    index = _make_index(h, w)
    bias = jnp.take(relative_position_bias_table, index.reshape(-1), axis=0)
    bias = bias.reshape(H * W, H * W, -1)
    bias = jnp.transpose(bias, (2, 0, 1))[None]
    return bias

if __name__ == "__main__":
    import jax
    _d = setup_inputs()
    print(jax.jit(kernel)(*tuple(_d.values())))

</pallas_src>

<mosaic_0001>
#map = affine_map<(d0, d1) -> (0, 0)>
#map1 = affine_map<(d0, d1) -> (0, 0, 0, 0)>
module attributes {stable_mosaic.version = 14 : i64} {
  func.func @_sc_body(%arg0: i32, %arg1: i32, %arg2: memref<16x3976xf32, #tpu.memory_space<hbm>>, %arg3: memref<1x16x1024x1024xf32, #tpu.memory_space<hbm>>, %arg4: memref<3976xf32, #tpu.memory_space<vmem>>, %arg5: memref<16x1024xf32, #tpu.memory_space<vmem>>, %arg6: memref<!tpu.dma_semaphore, #tpu.memory_space<semaphore_mem>>) attributes {dimension_semantics = [#tpu.dimension_semantics<core_parallel>, #tpu.dimension_semantics<subcore_parallel>], iteration_bounds = array<i64: 2, 16>, scalar_prefetch = 0 : i64, scratch_operands = 3 : i64, tpu.core_type = #tpu.core_type<sc_vector_subcore>, window_params = [{transform_indices = #map}, {transform_indices = #map1}]} {
    %mul3A = arith.constant 16 : i32
    %mul3A_0 = arith.muli %arg0, %mul3A : i32
    "tpu.region"() ({
      %run_scoped3A = tpu.sem_alloc : memref<!tpu.dma_semaphore, #tpu.memory_space<semaphore_mem>>
      %dma_start3A_510 = arith.constant 0 : i32
      %dma_start3A_511 = tpu.memref_slice %arg2[%arg1, %dma_start3A_510] : memref<16x3976xf32, #tpu.memory_space<hbm>> -> memref<1x3976xf32, #tpu.memory_space<hbm>>
      %dma_start3A_512 = tpu.memref_squeeze %dma_start3A_511 : memref<1x3976xf32, #tpu.memory_space<hbm>> -> memref<3976xf32, #tpu.memory_space<hbm>>
      %dma_start3A_513 = arith.constant 0 : i32
      %dma_start3A_514 = tpu.memref_slice %arg2[%arg1, %dma_start3A_513] : memref<16x3976xf32, #tpu.memory_space<hbm>> -> memref<1x3976xf32, #tpu.memory_space<hbm>>
      %dma_start3A_515 = tpu.memref_squeeze %dma_start3A_514 : memref<1x3976xf32, #tpu.memory_space<hbm>> -> memref<3976xf32, #tpu.memory_space<hbm>>
      tpu.enqueue_dma source(%dma_start3A_515 : memref<3976xf32, #tpu.memory_space<hbm>>) target(%arg4 : memref<3976xf32, #tpu.memory_space<vmem>>) target_semaphore(%run_scoped3A : memref<!tpu.dma_semaphore, #tpu.memory_space<semaphore_mem>>)
      %dma_wait3A_516 = arith.constant 0 : i32
      %dma_wait3A_517 = tpu.memref_slice %arg2[%arg1, %dma_wait3A_516] : memref<16x3976xf32, #tpu.memory_space<hbm>> -> memref<1x3976xf32, #tpu.memory_space<hbm>>
      %dma_wait3A_518 = tpu.memref_squeeze %dma_wait3A_517 : memref<1x3976xf32, #tpu.memory_space<hbm>> -> memref<3976xf32, #tpu.memory_space<hbm>>
      %dma_wait3A_519 = arith.constant 0 : i32
      %dma_wait3A_520 = tpu.memref_slice %arg2[%arg1, %dma_wait3A_519] : memref<16x3976xf32, #tpu.memory_space<hbm>> -> memref<1x3976xf32, #tpu.memory_space<hbm>>
      %dma_wait3A_521 = tpu.memref_squeeze %dma_wait3A_520 : memref<1x3976xf32, #tpu.memory_space<hbm>> -> memref<3976xf32, #tpu.memory_space<hbm>>
      tpu.wait_dma2 semaphore(%run_scoped3A : memref<!tpu.dma_semaphore, #tpu.memory_space<semaphore_mem>>) src(%dma_wait3A_521 : memref<3976xf32, #tpu.memory_space<hbm>>) dst(%arg4 : memref<3976xf32, #tpu.memory_space<vmem>>)
      tpu.yield
    }) : () -> ()
    %add3A = arith.constant 0 : i32
    %add3A_1 = arith.addi %add3A, %mul3A_0 : i32
    %dma_start3A = arith.constant 0 : i32
    %dma_start3A_2 = arith.constant 0 : i32
    %dma_start3A_3 = tpu.memref_slice %arg3[%dma_start3A, %arg1, %add3A_1, %dma_start3A_2] : memref<1x16x1024x1024xf32, #tpu.memory_space<hbm>> -> memref<1x1x16x1024xf32, #tpu.memory_space<hbm>>
    %dma_start3A_4 = tpu.memref_squeeze %dma_start3A_3 : memref<1x1x16x1024xf32, #tpu.memory_space<hbm>> -> memref<16x1024xf32, #tpu.memory_space<hbm>>
    %dma_start3A_5 = arith.constant 0 : i32
    %dma_start3A_6 = tpu.memref_slice %arg3[%dma_start3A, %arg1, %add3A_1, %dma_start3A_5] : memref<1x16x1024x1024xf32, #tpu.memory_space<hbm>> -> memref<1x1x16x1024xf32, #tpu.memory_space<hbm>>
    %dma_start3A_7 = tpu.memref_squeeze %dma_start3A_6 : memref<1x1x16x1024xf32, #tpu.memory_space<hbm>> -> memref<16x1024xf32, #tpu.memory_space<hbm>>
    tpu.enqueue_dma source(%arg5 : memref<16x1024xf32, #tpu.memory_space<vmem>>) target(%dma_start3A_7 : memref<16x1024xf32, #tpu.memory_space<hbm>>) target_semaphore(%arg6 : memref<!tpu.dma_semaphore, #tpu.memory_space<semaphore_mem>>)
    %add3A_8 = arith.constant 32 : i32
    %add3A_9 = arith.addi %add3A_8, %mul3A_0 : i32
    %dma_start3A_10 = arith.constant 0 : i32
    %dma_start3A_11 = arith.constant 0 : i32
    %dma_start3A_12 = tpu.memref_slice %arg3[%dma_start3A_10, %arg1, %add3A_9, %dma_start3A_11] : memref<1x16x1024x1024xf32, #tpu.memory_space<hbm>> -> memref<1x1x16x1024xf32, #tpu.memory_space<hbm>>
    %dma_start3A_13 = tpu.memref_squeeze %dma_start3A_12 : memref<1x1x16x1024xf32, #tpu.memory_space<hbm>> -> memref<16x1024xf32, #tpu.memory_space<hbm>>
    %dma_start3A_14 = arith.constant 0 : i32
    %dma_start3A_15 = tpu.memref_slice %arg3[%dma_start3A_10, %arg1, %add3A_9, %dma_start3A_14] : memref<1x16x1024x1024xf32, #tpu.memory_space<hbm>> -> memref<1x1x16x1024xf32, #tpu.memory_space<hbm>>
    %dma_start3A_16 = tpu.memref_squeeze %dma_start3A_15 : memref<1x1x16x1024xf32, #tpu.memory_space<hbm>> -> memref<16x1024xf32, #tpu.memory_space<hbm>>
    tpu.enqueue_dma source(%arg5 : memref<16x1024xf32, #tpu.memory_space<vmem>>) target(%dma_start3A_16 : memref<16x1024xf32, #tpu.memory_space<hbm>>) target_semaphore(%arg6 : memref<!tpu.dma_semaphore, #tpu.memory_space<semaphore_mem>>)
    %add3A_17 = arith.constant 64 : i32
    %add3A_18 = arith.addi %add3A_17, %mul3A_0 : i32
    %dma_start3A_19 = arith.constant 0 : i32
    %dma_start3A_20 = arith.constant 0 : i32
    %dma_start3A_21 = tpu.memref_slice %arg3[%dma_start3A_19, %arg1, %add3A_18, %dma_start3A_20] : memref<1x16x1024x1024xf32, #tpu.memory_space<hbm>> -> memref<1x1x16x1024xf32, #tpu.memory_space<hbm>>
    %dma_start3A_22 = tpu.memref_squeeze %dma_start3A_21 : memref<1x1x16x1024xf32, #tpu.memory_space<hbm>> -> memref<16x1024xf32, #tpu.memory_space<hbm>>
    %dma_start3A_23 = arith.constant 0 : i32
    %dma_start3A_24 = tpu.memref_slice %arg3[%dma_start3A_19, %arg1, %add3A_18, %dma_start3A_23] : memref<1x16x1024x1024xf32, #tpu.memory_space<hbm>> -> memref<1x1x16x1024xf32, #tpu.memory_space<hbm>>
    %dma_start3A_25 = tpu.memref_squeeze %dma_start3A_24 : memref<1x1x16x1024xf32, #tpu.memory_space<hbm>> -> memref<16x1024xf32, #tpu.memory_space<hbm>>
    tpu.enqueue_dma source(%arg5 : memref<16x1024xf32, #tpu.memory_space<vmem>>) target(%dma_start3A_25 : memref<16x1024xf32, #tpu.memory_space<hbm>>) target_semaphore(%arg6 : memref<!tpu.dma_semaphore, #tpu.memory_space<semaphore_mem>>)
    %add3A_26 = arith.constant 96 : i32
    %add3A_27 = arith.addi %add3A_26, %mul3A_0 : i32
    %dma_start3A_28 = arith.constant 0 : i32
    %dma_start3A_29 = arith.constant 0 : i32
    %dma_start3A_30 = tpu.memref_slice %arg3[%dma_start3A_28, %arg1, %add3A_27, %dma_start3A_29] : memref<1x16x1024x1024xf32, #tpu.memory_space<hbm>> -> memref<1x1x16x1024xf32, #tpu.memory_space<hbm>>
    %dma_start3A_31 = tpu.memref_squeeze %dma_start3A_30 : memref<1x1x16x1024xf32, #tpu.memory_space<hbm>> -> memref<16x1024xf32, #tpu.memory_space<hbm>>
    %dma_start3A_32 = arith.constant 0 : i32
    %dma_start3A_33 = tpu.memref_slice %arg3[%dma_start3A_28, %arg1, %add3A_27, %dma_start3A_32] : memref<1x16x1024x1024xf32, #tpu.memory_space<hbm>> -> memref<1x1x16x1024xf32, #tpu.memory_space<hbm>>
    %dma_start3A_34 = tpu.memref_squeeze %dma_start3A_33 : memref<1x1x16x1024xf32, #tpu.memory_space<hbm>> -> memref<16x1024xf32, #tpu.memory_space<hbm>>
    tpu.enqueue_dma source(%arg5 : memref<16x1024xf32, #tpu.memory_space<vmem>>) target(%dma_start3A_34 : memref<16x1024xf32, #tpu.memory_space<hbm>>) target_semaphore(%arg6 : memref<!tpu.dma_semaphore, #tpu.memory_space<semaphore_mem>>)
    %add3A_35 = arith.constant 128 : i32
    %add3A_36 = arith.addi %add3A_35, %mul3A_0 : i32
    %dma_start3A_37 = arith.constant 0 : i32
    %dma_start3A_38 = arith.constant 0 : i32
    %dma_start3A_39 = tpu.memref_slice %arg3[%dma_start3A_37, %arg1, %add3A_36, %dma_start3A_38] : memref<1x16x1024x1024xf32, #tpu.memory_space<hbm>> -> memref<1x1x16x1024xf32, #tpu.memory_space<hbm>>
    %dma_start3A_40 = tpu.memref_squeeze %dma_start3A_39 : memref<1x1x16x1024xf32, #tpu.memory_space<hbm>> -> memref<16x1024xf32, #tpu.memory_space<hbm>>
    %dma_start3A_41 = arith.constant 0 : i32
    %dma_start3A_42 = tpu.memref_slice %arg3[%dma_start3A_37, %arg1, %add3A_36, %dma_start3A_41] : memref<1x16x1024x1024xf32, #tpu.memory_space<hbm>> -> memref<1x1x16x1024xf32, #tpu.memory_space<hbm>>
    %dma_start3A_43 = tpu.memref_squeeze %dma_start3A_42 : memref<1x1x16x1024xf32, #tpu.memory_space<hbm>> -> memref<16x1024xf32, #tpu.memory_space<hbm>>
    tpu.enqueue_dma source(%arg5 : memref<16x1024xf32, #tpu.memory_space<vmem>>) target(%dma_start3A_43 : memref<16x1024xf32, #tpu.memory_space<hbm>>) target_semaphore(%arg6 : memref<!tpu.dma_semaphore, #tpu.memory_space<semaphore_mem>>)
    %add3A_44 = arith.constant 160 : i32
    %add3A_45 = arith.addi %add3A_44, %mul3A_0 : i32
    %dma_start3A_46 = arith.constant 0 : i32
    %dma_start3A_47 = arith.constant 0 : i32
    %dma_start3A_48 = tpu.memref_slice %arg3[%dma_start3A_46, %arg1, %add3A_45, %dma_start3A_47] : memref<1x16x1024x1024xf32, #tpu.memory_space<hbm>> -> memref<1x1x16x1024xf32, #tpu.memory_space<hbm>>
    %dma_start3A_49 = tpu.memref_squeeze %dma_start3A_48 : memref<1x1x16x1024xf32, #tpu.memory_space<hbm>> -> memref<16x1024xf32, #tpu.memory_space<hbm>>
    %dma_start3A_50 = arith.constant 0 : i32
    %dma_start3A_51 = tpu.memref_slice %arg3[%dma_start3A_46, %arg1, %add3A_45, %dma_start3A_50] : memref<1x16x1024x1024xf32, #tpu.memory_space<hbm>> -> memref<1x1x16x1024xf32, #tpu.memory_space<hbm>>
    %dma_start3A_52 = tpu.memref_squeeze %dma_start3A_51 : memref<1x1x16x1024xf32, #tpu.memory_space<hbm>> -> memref<16x1024xf32, #tpu.memory_space<hbm>>
    tpu.enqueue_dma source(%arg5 : memref<16x1024xf32, #tpu.memory_space<vmem>>) target(%dma_start3A_52 : memref<16x1024xf32, #tpu.memory_space<hbm>>) target_semaphore(%arg6 : memref<!tpu.dma_semaphore, #tpu.memory_space<semaphore_mem>>)
    %add3A_53 = arith.constant 192 : i32
    %add3A_54 = arith.addi %add3A_53, %mul3A_0 : i32
    %dma_start3A_55 = arith.constant 0 : i32
    %dma_start3A_56 = arith.constant 0 : i32
    %dma_start3A_57 = tpu.memref_slice %arg3[%dma_start3A_55, %arg1, %add3A_54, %dma_start3A_56] : memref<1x16x1024x1024xf32, #tpu.memory_space<hbm>> -> memref<1x1x16x1024xf32, #tpu.memory_space<hbm>>
    %dma_start3A_58 = tpu.memref_squeeze %dma_start3A_57 : memref<1x1x16x1024xf32, #tpu.memory_space<hbm>> -> memref<16x1024xf32, #tpu.memory_space<hbm>>
    %dma_start3A_59 = arith.constant 0 : i32
    %dma_start3A_60 = tpu.memref_slice %arg3[%dma_start3A_55, %arg1, %add3A_54, %dma_start3A_59] : memref<1x16x1024x1024xf32, #tpu.memory_space<hbm>> -> memref<1x1x16x1024xf32, #tpu.memory_space<hbm>>
    %dma_start3A_61 = tpu.memref_squeeze %dma_start3A_60 : memref<1x1x16x1024xf32, #tpu.memory_space<hbm>> -> memref<16x1024xf32, #tpu.memory_space<hbm>>
    tpu.enqueue_dma source(%arg5 : memref<16x1024xf32, #tpu.memory_space<vmem>>) target(%dma_start3A_61 : memref<16x1024xf32, #tpu.memory_space<hbm>>) target_semaphore(%arg6 : memref<!tpu.dma_semaphore, #tpu.memory_space<semaphore_mem>>)
    %add3A_62 = arith.constant 224 : i32
    %add3A_63 = arith.addi %add3A_62, %mul3A_0 : i32
    %dma_start3A_64 = arith.constant 0 : i32
    %dma_start3A_65 = arith.constant 0 : i32
    %dma_start3A_66 = tpu.memref_slice %arg3[%dma_start3A_64, %arg1, %add3A_63, %dma_start3A_65] : memref<1x16x1024x1024xf32, #tpu.memory_space<hbm>> -> memref<1x1x16x1024xf32, #tpu.memory_space<hbm>>
    %dma_start3A_67 = tpu.memref_squeeze %dma_start3A_66 : memref<1x1x16x1024xf32, #tpu.memory_space<hbm>> -> memref<16x1024xf32, #tpu.memory_space<hbm>>
    %dma_start3A_68 = arith.constant 0 : i32
    %dma_start3A_69 = tpu.memref_slice %arg3[%dma_start3A_64, %arg1, %add3A_63, %dma_start3A_68] : memref<1x16x1024x1024xf32, #tpu.memory_space<hbm>> -> memref<1x1x16x1024xf32, #tpu.memory_space<hbm>>
    %dma_start3A_70 = tpu.memref_squeeze %dma_start3A_69 : memref<1x1x16x1024xf32, #tpu.memory_space<hbm>> -> memref<16x1024xf32, #tpu.memory_space<hbm>>
    tpu.enqueue_dma source(%arg5 : memref<16x1024xf32, #tpu.memory_space<vmem>>) target(%dma_start3A_70 : memref<16x1024xf32, #tpu.memory_space<hbm>>) target_semaphore(%arg6 : memref<!tpu.dma_semaphore, #tpu.memory_space<semaphore_mem>>)
    %add3A_71 = arith.constant 256 : i32
    %add3A_72 = arith.addi %add3A_71, %mul3A_0 : i32
    %dma_start3A_73 = arith.constant 0 : i32
    %dma_start3A_74 = arith.constant 0 : i32
    %dma_start3A_75 = tpu.memref_slice %arg3[%dma_start3A_73, %arg1, %add3A_72, %dma_start3A_74] : memref<1x16x1024x1024xf32, #tpu.memory_space<hbm>> -> memref<1x1x16x1024xf32, #tpu.memory_space<hbm>>
    %dma_start3A_76 = tpu.memref_squeeze %dma_start3A_75 : memref<1x1x16x1024xf32, #tpu.memory_space<hbm>> -> memref<16x1024xf32, #tpu.memory_space<hbm>>
    %dma_start3A_77 = arith.constant 0 : i32
    %dma_start3A_78 = tpu.memref_slice %arg3[%dma_start3A_73, %arg1, %add3A_72, %dma_start3A_77] : memref<1x16x1024x1024xf32, #tpu.memory_space<hbm>> -> memref<1x1x16x1024xf32, #tpu.memory_space<hbm>>
    %dma_start3A_79 = tpu.memref_squeeze %dma_start3A_78 : memref<1x1x16x1024xf32, #tpu.memory_space<hbm>> -> memref<16x1024xf32, #tpu.memory_space<hbm>>
    tpu.enqueue_dma source(%arg5 : memref<16x1024xf32, #tpu.memory_space<vmem>>) target(%dma_start3A_79 : memref<16x1024xf32, #tpu.memory_space<hbm>>) target_semaphore(%arg6 : memref<!tpu.dma_semaphore, #tpu.memory_space<semaphore_mem>>)
    %add3A_80 = arith.constant 288 : i32
    %add3A_81 = arith.addi %add3A_80, %mul3A_0 : i32
    %dma_start3A_82 = arith.constant 0 : i32
    %dma_start3A_83 = arith.constant 0 : i32
    %dma_start3A_84 = tpu.memref_slice %arg3[%dma_start3A_82, %arg1, %add3A_81, %dma_start3A_83] : memref<1x16x1024x1024xf32, #tpu.memory_space<hbm>> -> memref<1x1x16x1024xf32, #tpu.memory_space<hbm>>
    %dma_start3A_85 = tpu.memref_squeeze %dma_start3A_84 : memref<1x1x16x1024xf32, #tpu.memory_space<hbm>> -> memref<16x1024xf32, #tpu.memory_space<hbm>>
    %dma_start3A_86 = arith.constant 0 : i32
    %dma_start3A_87 = tpu.memref_slice %arg3[%dma_start3A_82, %arg1, %add3A_81, %dma_start3A_86] : memref<1x16x1024x1024xf32, #tpu.memory_space<hbm>> -> memref<1x1x16x1024xf32, #tpu.memory_space<hbm>>
    %dma_start3A_88 = tpu.memref_squeeze %dma_start3A_87 : memref<1x1x16x1024xf32, #tpu.memory_space<hbm>> -> memref<16x1024xf32, #tpu.memory_space<hbm>>
    tpu.enqueue_dma source(%arg5 : memref<16x1024xf32, #tpu.memory_space<vmem>>) target(%dma_start3A_88 : memref<16x1024xf32, #tpu.memory_space<hbm>>) target_semaphore(%arg6 : memref<!tpu.dma_semaphore, #tpu.memory_space<semaphore_mem>>)
    %add3A_89 = arith.constant 320 : i32
    %add3A_90 = arith.addi %add3A_89, %mul3A_0 : i32
    %dma_start3A_91 = arith.constant 0 : i32
    %dma_start3A_92 = arith.constant 0 : i32
    %dma_start3A_93 = tpu.memref_slice %arg3[%dma_start3A_91, %arg1, %add3A_90, %dma_start3A_92] : memref<1x16x1024x1024xf32, #tpu.memory_space<hbm>> -> memref<1x1x16x1024xf32, #tpu.memory_space<hbm>>
    %dma_start3A_94 = tpu.memref_squeeze %dma_start3A_93 : memref<1x1x16x1024xf32, #tpu.memory_space<hbm>> -> memref<16x1024xf32, #tpu.memory_space<hbm>>
    %dma_start3A_95 = arith.constant 0 : i32
    %dma_start3A_96 = tpu.memref_slice %arg3[%dma_start3A_91, %arg1, %add3A_90, %dma_start3A_95] : memref<1x16x1024x1024xf32, #tpu.memory_space<hbm>> -> memref<1x1x16x1024xf32, #tpu.memory_space<hbm>>
    %dma_start3A_97 = tpu.memref_squeeze %dma_start3A_96 : memref<1x1x16x1024xf32, #tpu.memory_space<hbm>> -> memref<16x1024xf32, #tpu.memory_space<hbm>>
    tpu.enqueue_dma source(%arg5 : memref<16x1024xf32, #tpu.memory_space<vmem>>) target(%dma_start3A_97 : memref<16x1024xf32, #tpu.memory_space<hbm>>) target_semaphore(%arg6 : memref<!tpu.dma_semaphore, #tpu.memory_space<semaphore_mem>>)
    %add3A_98 = arith.constant 352 : i32
    %add3A_99 = arith.addi %add3A_98, %mul3A_0 : i32
    %dma_start3A_100 = arith.constant 0 : i32
    %dma_start3A_101 = arith.constant 0 : i32
    %dma_start3A_102 = tpu.memref_slice %arg3[%dma_start3A_100, %arg1, %add3A_99, %dma_start3A_101] : memref<1x16x1024x1024xf32, #tpu.memory_space<hbm>> -> memref<1x1x16x1024xf32, #tpu.memory_space<hbm>>
    %dma_start3A_103 = tpu.memref_squeeze %dma_start3A_102 : memref<1x1x16x1024xf32, #tpu.memory_space<hbm>> -> memref<16x1024xf32, #tpu.memory_space<hbm>>
    %dma_start3A_104 = arith.constant 0 : i32
    %dma_start3A_105 = tpu.memref_slice %arg3[%dma_start3A_100, %arg1, %add3A_99, %dma_start3A_104] : memref<1x16x1024x1024xf32, #tpu.memory_space<hbm>> -> memref<1x1x16x1024xf32, #tpu.memory_space<hbm>>
    %dma_start3A_106 = tpu.memref_squeeze %dma_start3A_105 : memref<1x1x16x1024xf32, #tpu.memory_space<hbm>> -> memref<16x1024xf32, #tpu.memory_space<hbm>>
    tpu.enqueue_dma source(%arg5 : memref<16x1024xf32, #tpu.memory_space<vmem>>) target(%dma_start3A_106 : memref<16x1024xf32, #tpu.memory_space<hbm>>) target_semaphore(%arg6 : memref<!tpu.dma_semaphore, #tpu.memory_space<semaphore_mem>>)
    %add3A_107 = arith.constant 384 : i32
    %add3A_108 = arith.addi %add3A_107, %mul3A_0 : i32
    %dma_start3A_109 = arith.constant 0 : i32
    %dma_start3A_110 = arith.constant 0 : i32
    %dma_start3A_111 = tpu.memref_slice %arg3[%dma_start3A_109, %arg1, %add3A_108, %dma_start3A_110] : memref<1x16x1024x1024xf32, #tpu.memory_space<hbm>> -> memref<1x1x16x1024xf32, #tpu.memory_space<hbm>>
    %dma_start3A_112 = tpu.memref_squeeze %dma_start3A_111 : memref<1x1x16x1024xf32, #tpu.memory_space<hbm>> -> memref<16x1024xf32, #tpu.memory_space<hbm>>
    %dma_start3A_113 = arith.constant 0 : i32
    %dma_start3A_114 = tpu.memref_slice %arg3[%dma_start3A_109, %arg1, %add3A_108, %dma_start3A_113] : memref<1x16x1024x1024xf32, #tpu.memory_space<hbm>> -> memref<1x1x16x1024xf32, #tpu.memory_space<hbm>>
    %dma_start3A_115 = tpu.memref_squeeze %dma_start3A_114 : memref<1x1x16x1024xf32, #tpu.memory_space<hbm>> -> memref<16x1024xf32, #tpu.memory_space<hbm>>
    tpu.enqueue_dma source(%arg5 : memref<16x1024xf32, #tpu.memory_space<vmem>>) target(%dma_start3A_115 : memref<16x1024xf32, #tpu.memory_space<hbm>>) target_semaphore(%arg6 : memref<!tpu.dma_semaphore, #tpu.memory_space<semaphore_mem>>)
    %add3A_116 = arith.constant 416 : i32
    %add3A_117 = arith.addi %add3A_116, %mul3A_0 : i32
    %dma_start3A_118 = arith.constant 0 : i32
    %dma_start3A_119 = arith.constant 0 : i32
    %dma_start3A_120 = tpu.memref_slice %arg3[%dma_start3A_118, %arg1, %add3A_117, %dma_start3A_119] : memref<1x16x1024x1024xf32, #tpu.memory_space<hbm>> -> memref<1x1x16x1024xf32, #tpu.memory_space<hbm>>
    %dma_start3A_121 = tpu.memref_squeeze %dma_start3A_120 : memref<1x1x16x1024xf32, #tpu.memory_space<hbm>> -> memref<16x1024xf32, #tpu.memory_space<hbm>>
    %dma_start3A_122 = arith.constant 0 : i32
    %dma_start3A_123 = tpu.memref_slice %arg3[%dma_start3A_118, %arg1, %add3A_117, %dma_start3A_122] : memref<1x16x1024x1024xf32, #tpu.memory_space<hbm>> -> memref<1x1x16x1024xf32, #tpu.memory_space<hbm>>
    %dma_start3A_124 = tpu.memref_squeeze %dma_start3A_123 : memref<1x1x16x1024xf32, #tpu.memory_space<hbm>> -> memref<16x1024xf32, #tpu.memory_space<hbm>>
    tpu.enqueue_dma source(%arg5 : memref<16x1024xf32, #tpu.memory_space<vmem>>) target(%dma_start3A_124 : memref<16x1024xf32, #tpu.memory_space<hbm>>) target_semaphore(%arg6 : memref<!tpu.dma_semaphore, #tpu.memory_space<semaphore_mem>>)
    %add3A_125 = arith.constant 448 : i32
    %add3A_126 = arith.addi %add3A_125, %mul3A_0 : i32
    %dma_start3A_127 = arith.constant 0 : i32
    %dma_start3A_128 = arith.constant 0 : i32
    %dma_start3A_129 = tpu.memref_slice %arg3[%dma_start3A_127, %arg1, %add3A_126, %dma_start3A_128] : memref<1x16x1024x1024xf32, #tpu.memory_space<hbm>> -> memref<1x1x16x1024xf32, #tpu.memory_space<hbm>>
    %dma_start3A_130 = tpu.memref_squeeze %dma_start3A_129 : memref<1x1x16x1024xf32, #tpu.memory_space<hbm>> -> memref<16x1024xf32, #tpu.memory_space<hbm>>
    %dma_start3A_131 = arith.constant 0 : i32
    %dma_start3A_132 = tpu.memref_slice %arg3[%dma_start3A_127, %arg1, %add3A_126, %dma_start3A_131] : memref<1x16x1024x1024xf32, #tpu.memory_space<hbm>> -> memref<1x1x16x1024xf32, #tpu.memory_space<hbm>>
    %dma_start3A_133 = tpu.memref_squeeze %dma_start3A_132 : memref<1x1x16x1024xf32, #tpu.memory_space<hbm>> -> memref<16x1024xf32, #tpu.memory_space<hbm>>
    tpu.enqueue_dma source(%arg5 : memref<16x1024xf32, #tpu.memory_space<vmem>>) target(%dma_start3A_133 : memref<16x1024xf32, #tpu.memory_space<hbm>>) target_semaphore(%arg6 : memref<!tpu.dma_semaphore, #tpu.memory_space<semaphore_mem>>)
    %add3A_134 = arith.constant 480 : i32
    %add3A_135 = arith.addi %add3A_134, %mul3A_0 : i32
    %dma_start3A_136 = arith.constant 0 : i32
    %dma_start3A_137 = arith.constant 0 : i32
    %dma_start3A_138 = tpu.memref_slice %arg3[%dma_start3A_136, %arg1, %add3A_135, %dma_start3A_137] : memref<1x16x1024x1024xf32, #tpu.memory_space<hbm>> -> memref<1x1x16x1024xf32, #tpu.memory_space<hbm>>
    %dma_start3A_139 = tpu.memref_squeeze %dma_start3A_138 : memref<1x1x16x1024xf32, #tpu.memory_space<hbm>> -> memref<16x1024xf32, #tpu.memory_space<hbm>>
    %dma_start3A_140 = arith.constant 0 : i32
    %dma_start3A_141 = tpu.memref_slice %arg3[%dma_start3A_136, %arg1, %add3A_135, %dma_start3A_140] : memref<1x16x1024x1024xf32, #tpu.memory_space<hbm>> -> memref<1x1x16x1024xf32, #tpu.memory_space<hbm>>
    %dma_start3A_142 = tpu.memref_squeeze %dma_start3A_141 : memref<1x1x16x1024xf32, #tpu.memory_space<hbm>> -> memref<16x1024xf32, #tpu.memory_space<hbm>>
    tpu.enqueue_dma source(%arg5 : memref<16x1024xf32, #tpu.memory_space<vmem>>) target(%dma_start3A_142 : memref<16x1024xf32, #tpu.memory_space<hbm>>) target_semaphore(%arg6 : memref<!tpu.dma_semaphore, #tpu.memory_space<semaphore_mem>>)
    %add3A_143 = arith.constant 512 : i32
    %add3A_144 = arith.addi %add3A_143, %mul3A_0 : i32
    %dma_start3A_145 = arith.constant 0 : i32
    %dma_start3A_146 = arith.constant 0 : i32
    %dma_start3A_147 = tpu.memref_slice %arg3[%dma_start3A_145, %arg1, %add3A_144, %dma_start3A_146] : memref<1x16x1024x1024xf32, #tpu.memory_space<hbm>> -> memref<1x1x16x1024xf32, #tpu.memory_space<hbm>>
    %dma_start3A_148 = tpu.memref_squeeze %dma_start3A_147 : memref<1x1x16x1024xf32, #tpu.memory_space<hbm>> -> memref<16x1024xf32, #tpu.memory_space<hbm>>
    %dma_start3A_149 = arith.constant 0 : i32
    %dma_start3A_150 = tpu.memref_slice %arg3[%dma_start3A_145, %arg1, %add3A_144, %dma_start3A_149] : memref<1x16x1024x1024xf32, #tpu.memory_space<hbm>> -> memref<1x1x16x1024xf32, #tpu.memory_space<hbm>>
    %dma_start3A_151 = tpu.memref_squeeze %dma_start3A_150 : memref<1x1x16x1024xf32, #tpu.memory_space<hbm>> -> memref<16x1024xf32, #tpu.memory_space<hbm>>
    tpu.enqueue_dma source(%arg5 : memref<16x1024xf32, #tpu.memory_space<vmem>>) target(%dma_start3A_151 : memref<16x1024xf32, #tpu.memory_space<hbm>>) target_semaphore(%arg6 : memref<!tpu.dma_semaphore, #tpu.memory_space<semaphore_mem>>)
    %add3A_152 = arith.constant 544 : i32
    %add3A_153 = arith.addi %add3A_152, %mul3A_0 : i32
    %dma_start3A_154 = arith.constant 0 : i32
    %dma_start3A_155 = arith.constant 0 : i32
    %dma_start3A_156 = tpu.memref_slice %arg3[%dma_start3A_154, %arg1, %add3A_153, %dma_start3A_155] : memref<1x16x1024x1024xf32, #tpu.memory_space<hbm>> -> memref<1x1x16x1024xf32, #tpu.memory_space<hbm>>
    %dma_start3A_157 = tpu.memref_squeeze %dma_start3A_156 : memref<1x1x16x1024xf32, #tpu.memory_space<hbm>> -> memref<16x1024xf32, #tpu.memory_space<hbm>>
    %dma_start3A_158 = arith.constant 0 : i32
    %dma_start3A_159 = tpu.memref_slice %arg3[%dma_start3A_154, %arg1, %add3A_153, %dma_start3A_158] : memref<1x16x1024x1024xf32, #tpu.memory_space<hbm>> -> memref<1x1x16x1024xf32, #tpu.memory_space<hbm>>
    %dma_start3A_160 = tpu.memref_squeeze %dma_start3A_159 : memref<1x1x16x1024xf32, #tpu.memory_space<hbm>> -> memref<16x1024xf32, #tpu.memory_space<hbm>>
    tpu.enqueue_dma source(%arg5 : memref<16x1024xf32, #tpu.memory_space<vmem>>) target(%dma_start3A_160 : memref<16x1024xf32, #tpu.memory_space<hbm>>) target_semaphore(%arg6 : memref<!tpu.dma_semaphore, #tpu.memory_space<semaphore_mem>>)
    %add3A_161 = arith.constant 576 : i32
    %add3A_162 = arith.addi %add3A_161, %mul3A_0 : i32
    %dma_start3A_163 = arith.constant 0 : i32
    %dma_start3A_164 = arith.constant 0 : i32
    %dma_start3A_165 = tpu.memref_slice %arg3[%dma_start3A_163, %arg1, %add3A_162, %dma_start3A_164] : memref<1x16x1024x1024xf32, #tpu.memory_space<hbm>> -> memref<1x1x16x1024xf32, #tpu.memory_space<hbm>>
    %dma_start3A_166 = tpu.memref_squeeze %dma_start3A_165 : memref<1x1x16x1024xf32, #tpu.memory_space<hbm>> -> memref<16x1024xf32, #tpu.memory_space<hbm>>
    %dma_start3A_167 = arith.constant 0 : i32
    %dma_start3A_168 = tpu.memref_slice %arg3[%dma_start3A_163, %arg1, %add3A_162, %dma_start3A_167] : memref<1x16x1024x1024xf32, #tpu.memory_space<hbm>> -> memref<1x1x16x1024xf32, #tpu.memory_space<hbm>>
    %dma_start3A_169 = tpu.memref_squeeze %dma_start3A_168 : memref<1x1x16x1024xf32, #tpu.memory_space<hbm>> -> memref<16x1024xf32, #tpu.memory_space<hbm>>
    tpu.enqueue_dma source(%arg5 : memref<16x1024xf32, #tpu.memory_space<vmem>>) target(%dma_start3A_169 : memref<16x1024xf32, #tpu.memory_space<hbm>>) target_semaphore(%arg6 : memref<!tpu.dma_semaphore, #tpu.memory_space<semaphore_mem>>)
    %add3A_170 = arith.constant 608 : i32
    %add3A_171 = arith.addi %add3A_170, %mul3A_0 : i32
    %dma_start3A_172 = arith.constant 0 : i32
    %dma_start3A_173 = arith.constant 0 : i32
    %dma_start3A_174 = tpu.memref_slice %arg3[%dma_start3A_172, %arg1, %add3A_171, %dma_start3A_173] : memref<1x16x1024x1024xf32, #tpu.memory_space<hbm>> -> memref<1x1x16x1024xf32, #tpu.memory_space<hbm>>
    %dma_start3A_175 = tpu.memref_squeeze %dma_start3A_174 : memref<1x1x16x1024xf32, #tpu.memory_space<hbm>> -> memref<16x1024xf32, #tpu.memory_space<hbm>>
    %dma_start3A_176 = arith.constant 0 : i32
    %dma_start3A_177 = tpu.memref_slice %arg3[%dma_start3A_172, %arg1, %add3A_171, %dma_start3A_176] : memref<1x16x1024x1024xf32, #tpu.memory_space<hbm>> -> memref<1x1x16x1024xf32, #tpu.memory_space<hbm>>
    %dma_start3A_178 = tpu.memref_squeeze %dma_start3A_177 : memref<1x1x16x1024xf32, #tpu.memory_space<hbm>> -> memref<16x1024xf32, #tpu.memory_space<hbm>>
    tpu.enqueue_dma source(%arg5 : memref<16x1024xf32, #tpu.memory_space<vmem>>) target(%dma_start3A_178 : memref<16x1024xf32, #tpu.memory_space<hbm>>) target_semaphore(%arg6 : memref<!tpu.dma_semaphore, #tpu.memory_space<semaphore_mem>>)
    %add3A_179 = arith.constant 640 : i32
    %add3A_180 = arith.addi %add3A_179, %mul3A_0 : i32
    %dma_start3A_181 = arith.constant 0 : i32
    %dma_start3A_182 = arith.constant 0 : i32
    %dma_start3A_183 = tpu.memref_slice %arg3[%dma_start3A_181, %arg1, %add3A_180, %dma_start3A_182] : memref<1x16x1024x1024xf32, #tpu.memory_space<hbm>> -> memref<1x1x16x1024xf32, #tpu.memory_space<hbm>>
    %dma_start3A_184 = tpu.memref_squeeze %dma_start3A_183 : memref<1x1x16x1024xf32, #tpu.memory_space<hbm>> -> memref<16x1024xf32, #tpu.memory_space<hbm>>
    %dma_start3A_185 = arith.constant 0 : i32
    %dma_start3A_186 = tpu.memref_slice %arg3[%dma_start3A_181, %arg1, %add3A_180, %dma_start3A_185] : memref<1x16x1024x1024xf32, #tpu.memory_space<hbm>> -> memref<1x1x16x1024xf32, #tpu.memory_space<hbm>>
    %dma_start3A_187 = tpu.memref_squeeze %dma_start3A_186 : memref<1x1x16x1024xf32, #tpu.memory_space<hbm>> -> memref<16x1024xf32, #tpu.memory_space<hbm>>
    tpu.enqueue_dma source(%arg5 : memref<16x1024xf32, #tpu.memory_space<vmem>>) target(%dma_start3A_187 : memref<16x1024xf32, #tpu.memory_space<hbm>>) target_semaphore(%arg6 : memref<!tpu.dma_semaphore, #tpu.memory_space<semaphore_mem>>)
    %add3A_188 = arith.constant 672 : i32
    %add3A_189 = arith.addi %add3A_188, %mul3A_0 : i32
    %dma_start3A_190 = arith.constant 0 : i32
    %dma_start3A_191 = arith.constant 0 : i32
    %dma_start3A_192 = tpu.memref_slice %arg3[%dma_start3A_190, %arg1, %add3A_189, %dma_start3A_191] : memref<1x16x1024x1024xf32, #tpu.memory_space<hbm>> -> memref<1x1x16x1024xf32, #tpu.memory_space<hbm>>
    %dma_start3A_193 = tpu.memref_squeeze %dma_start3A_192 : memref<1x1x16x1024xf32, #tpu.memory_space<hbm>> -> memref<16x1024xf32, #tpu.memory_space<hbm>>
    %dma_start3A_194 = arith.constant 0 : i32
    %dma_start3A_195 = tpu.memref_slice %arg3[%dma_start3A_190, %arg1, %add3A_189, %dma_start3A_194] : memref<1x16x1024x1024xf32, #tpu.memory_space<hbm>> -> memref<1x1x16x1024xf32, #tpu.memory_space<hbm>>
    %dma_start3A_196 = tpu.memref_squeeze %dma_start3A_195 : memref<1x1x16x1024xf32, #tpu.memory_space<hbm>> -> memref<16x1024xf32, #tpu.memory_space<hbm>>
    tpu.enqueue_dma source(%arg5 : memref<16x1024xf32, #tpu.memory_space<vmem>>) target(%dma_start3A_196 : memref<16x1024xf32, #tpu.memory_space<hbm>>) target_semaphore(%arg6 : memref<!tpu.dma_semaphore, #tpu.memory_space<semaphore_mem>>)
    %add3A_197 = arith.constant 704 : i32
    %add3A_198 = arith.addi %add3A_197, %mul3A_0 : i32
    %dma_start3A_199 = arith.constant 0 : i32
    %dma_start3A_200 = arith.constant 0 : i32
    %dma_start3A_201 = tpu.memref_slice %arg3[%dma_start3A_199, %arg1, %add3A_198, %dma_start3A_200] : memref<1x16x1024x1024xf32, #tpu.memory_space<hbm>> -> memref<1x1x16x1024xf32, #tpu.memory_space<hbm>>
    %dma_start3A_202 = tpu.memref_squeeze %dma_start3A_201 : memref<1x1x16x1024xf32, #tpu.memory_space<hbm>> -> memref<16x1024xf32, #tpu.memory_space<hbm>>
    %dma_start3A_203 = arith.constant 0 : i32
    %dma_start3A_204 = tpu.memref_slice %arg3[%dma_start3A_199, %arg1, %add3A_198, %dma_start3A_203] : memref<1x16x1024x1024xf32, #tpu.memory_space<hbm>> -> memref<1x1x16x1024xf32, #tpu.memory_space<hbm>>
    %dma_start3A_205 = tpu.memref_squeeze %dma_start3A_204 : memref<1x1x16x1024xf32, #tpu.memory_space<hbm>> -> memref<16x1024xf32, #tpu.memory_space<hbm>>
    tpu.enqueue_dma source(%arg5 : memref<16x1024xf32, #tpu.memory_space<vmem>>) target(%dma_start3A_205 : memref<16x1024xf32, #tpu.memory_space<hbm>>) target_semaphore(%arg6 : memref<!tpu.dma_semaphore, #tpu.memory_space<semaphore_mem>>)
    %add3A_206 = arith.constant 736 : i32
    %add3A_207 = arith.addi %add3A_206, %mul3A_0 : i32
    %dma_start3A_208 = arith.constant 0 : i32
    %dma_start3A_209 = arith.constant 0 : i32
    %dma_start3A_210 = tpu.memref_slice %arg3[%dma_start3A_208, %arg1, %add3A_207, %dma_start3A_209] : memref<1x16x1024x1024xf32, #tpu.memory_space<hbm>> -> memref<1x1x16x1024xf32, #tpu.memory_space<hbm>>
    %dma_start3A_211 = tpu.memref_squeeze %dma_start3A_210 : memref<1x1x16x1024xf32, #tpu.memory_space<hbm>> -> memref<16x1024xf32, #tpu.memory_space<hbm>>
    %dma_start3A_212 = arith.constant 0 : i32
    %dma_start3A_213 = tpu.memref_slice %arg3[%dma_start3A_208, %arg1, %add3A_207, %dma_start3A_212] : memref<1x16x1024x1024xf32, #tpu.memory_space<hbm>> -> memref<1x1x16x1024xf32, #tpu.memory_space<hbm>>
    %dma_start3A_214 = tpu.memref_squeeze %dma_start3A_213 : memref<1x1x16x1024xf32, #tpu.memory_space<hbm>> -> memref<16x1024xf32, #tpu.memory_space<hbm>>
    tpu.enqueue_dma source(%arg5 : memref<16x1024xf32, #tpu.memory_space<vmem>>) target(%dma_start3A_214 : memref<16x1024xf32, #tpu.memory_space<hbm>>) target_semaphore(%arg6 : memref<!tpu.dma_semaphore, #tpu.memory_space<semaphore_mem>>)
    %add3A_215 = arith.constant 768 : i32
    %add3A_216 = arith.addi %add3A_215, %mul3A_0 : i32
    %dma_start3A_217 = arith.constant 0 : i32
    %dma_start3A_218 = arith.constant 0 : i32
    %dma_start3A_219 = tpu.memref_slice %arg3[%dma_start3A_217, %arg1, %add3A_216, %dma_start3A_218] : memref<1x16x1024x1024xf32, #tpu.memory_space<hbm>> -> memref<1x1x16x1024xf32, #tpu.memory_space<hbm>>
    %dma_start3A_220 = tpu.memref_squeeze %dma_start3A_219 : memref<1x1x16x1024xf32, #tpu.memory_space<hbm>> -> memref<16x1024xf32, #tpu.memory_space<hbm>>
    %dma_start3A_221 = arith.constant 0 : i32
    %dma_start3A_222 = tpu.memref_slice %arg3[%dma_start3A_217, %arg1, %add3A_216, %dma_start3A_221] : memref<1x16x1024x1024xf32, #tpu.memory_space<hbm>> -> memref<1x1x16x1024xf32, #tpu.memory_space<hbm>>
    %dma_start3A_223 = tpu.memref_squeeze %dma_start3A_222 : memref<1x1x16x1024xf32, #tpu.memory_space<hbm>> -> memref<16x1024xf32, #tpu.memory_space<hbm>>
    tpu.enqueue_dma source(%arg5 : memref<16x1024xf32, #tpu.memory_space<vmem>>) target(%dma_start3A_223 : memref<16x1024xf32, #tpu.memory_space<hbm>>) target_semaphore(%arg6 : memref<!tpu.dma_semaphore, #tpu.memory_space<semaphore_mem>>)
    %add3A_224 = arith.constant 800 : i32
    %add3A_225 = arith.addi %add3A_224, %mul3A_0 : i32
    %dma_start3A_226 = arith.constant 0 : i32
    %dma_start3A_227 = arith.constant 0 : i32
    %dma_start3A_228 = tpu.memref_slice %arg3[%dma_start3A_226, %arg1, %add3A_225, %dma_start3A_227] : memref<1x16x1024x1024xf32, #tpu.memory_space<hbm>> -> memref<1x1x16x1024xf32, #tpu.memory_space<hbm>>
    %dma_start3A_229 = tpu.memref_squeeze %dma_start3A_228 : memref<1x1x16x1024xf32, #tpu.memory_space<hbm>> -> memref<16x1024xf32, #tpu.memory_space<hbm>>
    %dma_start3A_230 = arith.constant 0 : i32
    %dma_start3A_231 = tpu.memref_slice %arg3[%dma_start3A_226, %arg1, %add3A_225, %dma_start3A_230] : memref<1x16x1024x1024xf32, #tpu.memory_space<hbm>> -> memref<1x1x16x1024xf32, #tpu.memory_space<hbm>>
    %dma_start3A_232 = tpu.memref_squeeze %dma_start3A_231 : memref<1x1x16x1024xf32, #tpu.memory_space<hbm>> -> memref<16x1024xf32, #tpu.memory_space<hbm>>
    tpu.enqueue_dma source(%arg5 : memref<16x1024xf32, #tpu.memory_space<vmem>>) target(%dma_start3A_232 : memref<16x1024xf32, #tpu.memory_space<hbm>>) target_semaphore(%arg6 : memref<!tpu.dma_semaphore, #tpu.memory_space<semaphore_mem>>)
    %add3A_233 = arith.constant 832 : i32
    %add3A_234 = arith.addi %add3A_233, %mul3A_0 : i32
    %dma_start3A_235 = arith.constant 0 : i32
    %dma_start3A_236 = arith.constant 0 : i32
    %dma_start3A_237 = tpu.memref_slice %arg3[%dma_start3A_235, %arg1, %add3A_234, %dma_start3A_236] : memref<1x16x1024x1024xf32, #tpu.memory_space<hbm>> -> memref<1x1x16x1024xf32, #tpu.memory_space<hbm>>
    %dma_start3A_238 = tpu.memref_squeeze %dma_start3A_237 : memref<1x1x16x1024xf32, #tpu.memory_space<hbm>> -> memref<16x1024xf32, #tpu.memory_space<hbm>>
    %dma_start3A_239 = arith.constant 0 : i32
    %dma_start3A_240 = tpu.memref_slice %arg3[%dma_start3A_235, %arg1, %add3A_234, %dma_start3A_239] : memref<1x16x1024x1024xf32, #tpu.memory_space<hbm>> -> memref<1x1x16x1024xf32, #tpu.memory_space<hbm>>
    %dma_start3A_241 = tpu.memref_squeeze %dma_start3A_240 : memref<1x1x16x1024xf32, #tpu.memory_space<hbm>> -> memref<16x1024xf32, #tpu.memory_space<hbm>>
    tpu.enqueue_dma source(%arg5 : memref<16x1024xf32, #tpu.memory_space<vmem>>) target(%dma_start3A_241 : memref<16x1024xf32, #tpu.memory_space<hbm>>) target_semaphore(%arg6 : memref<!tpu.dma_semaphore, #tpu.memory_space<semaphore_mem>>)
    %add3A_242 = arith.constant 864 : i32
    %add3A_243 = arith.addi %add3A_242, %mul3A_0 : i32
    %dma_start3A_244 = arith.constant 0 : i32
    %dma_start3A_245 = arith.constant 0 : i32
    %dma_start3A_246 = tpu.memref_slice %arg3[%dma_start3A_244, %arg1, %add3A_243, %dma_start3A_245] : memref<1x16x1024x1024xf32, #tpu.memory_space<hbm>> -> memref<1x1x16x1024xf32, #tpu.memory_space<hbm>>
    %dma_start3A_247 = tpu.memref_squeeze %dma_start3A_246 : memref<1x1x16x1024xf32, #tpu.memory_space<hbm>> -> memref<16x1024xf32, #tpu.memory_space<hbm>>
    %dma_start3A_248 = arith.constant 0 : i32
    %dma_start3A_249 = tpu.memref_slice %arg3[%dma_start3A_244, %arg1, %add3A_243, %dma_start3A_248] : memref<1x16x1024x1024xf32, #tpu.memory_space<hbm>> -> memref<1x1x16x1024xf32, #tpu.memory_space<hbm>>
    %dma_start3A_250 = tpu.memref_squeeze %dma_start3A_249 : memref<1x1x16x1024xf32, #tpu.memory_space<hbm>> -> memref<16x1024xf32, #tpu.memory_space<hbm>>
    tpu.enqueue_dma source(%arg5 : memref<16x1024xf32, #tpu.memory_space<vmem>>) target(%dma_start3A_250 : memref<16x1024xf32, #tpu.memory_space<hbm>>) target_semaphore(%arg6 : memref<!tpu.dma_semaphore, #tpu.memory_space<semaphore_mem>>)
    %add3A_251 = arith.constant 896 : i32
    %add3A_252 = arith.addi %add3A_251, %mul3A_0 : i32
    %dma_start3A_253 = arith.constant 0 : i32
    %dma_start3A_254 = arith.constant 0 : i32
    %dma_start3A_255 = tpu.memref_slice %arg3[%dma_start3A_253, %arg1, %add3A_252, %dma_start3A_254] : memref<1x16x1024x1024xf32, #tpu.memory_space<hbm>> -> memref<1x1x16x1024xf32, #tpu.memory_space<hbm>>
    %dma_start3A_256 = tpu.memref_squeeze %dma_start3A_255 : memref<1x1x16x1024xf32, #tpu.memory_space<hbm>> -> memref<16x1024xf32, #tpu.memory_space<hbm>>
    %dma_start3A_257 = arith.constant 0 : i32
    %dma_start3A_258 = tpu.memref_slice %arg3[%dma_start3A_253, %arg1, %add3A_252, %dma_start3A_257] : memref<1x16x1024x1024xf32, #tpu.memory_space<hbm>> -> memref<1x1x16x1024xf32, #tpu.memory_space<hbm>>
    %dma_start3A_259 = tpu.memref_squeeze %dma_start3A_258 : memref<1x1x16x1024xf32, #tpu.memory_space<hbm>> -> memref<16x1024xf32, #tpu.memory_space<hbm>>
    tpu.enqueue_dma source(%arg5 : memref<16x1024xf32, #tpu.memory_space<vmem>>) target(%dma_start3A_259 : memref<16x1024xf32, #tpu.memory_space<hbm>>) target_semaphore(%arg6 : memref<!tpu.dma_semaphore, #tpu.memory_space<semaphore_mem>>)
    %add3A_260 = arith.constant 928 : i32
    %add3A_261 = arith.addi %add3A_260, %mul3A_0 : i32
    %dma_start3A_262 = arith.constant 0 : i32
    %dma_start3A_263 = arith.constant 0 : i32
    %dma_start3A_264 = tpu.memref_slice %arg3[%dma_start3A_262, %arg1, %add3A_261, %dma_start3A_263] : memref<1x16x1024x1024xf32, #tpu.memory_space<hbm>> -> memref<1x1x16x1024xf32, #tpu.memory_space<hbm>>
    %dma_start3A_265 = tpu.memref_squeeze %dma_start3A_264 : memref<1x1x16x1024xf32, #tpu.memory_space<hbm>> -> memref<16x1024xf32, #tpu.memory_space<hbm>>
    %dma_start3A_266 = arith.constant 0 : i32
    %dma_start3A_267 = tpu.memref_slice %arg3[%dma_start3A_262, %arg1, %add3A_261, %dma_start3A_266] : memref<1x16x1024x1024xf32, #tpu.memory_space<hbm>> -> memref<1x1x16x1024xf32, #tpu.memory_space<hbm>>
    %dma_start3A_268 = tpu.memref_squeeze %dma_start3A_267 : memref<1x1x16x1024xf32, #tpu.memory_space<hbm>> -> memref<16x1024xf32, #tpu.memory_space<hbm>>
    tpu.enqueue_dma source(%arg5 : memref<16x1024xf32, #tpu.memory_space<vmem>>) target(%dma_start3A_268 : memref<16x1024xf32, #tpu.memory_space<hbm>>) target_semaphore(%arg6 : memref<!tpu.dma_semaphore, #tpu.memory_space<semaphore_mem>>)
    %add3A_269 = arith.constant 960 : i32
    %add3A_270 = arith.addi %add3A_269, %mul3A_0 : i32
    %dma_start3A_271 = arith.constant 0 : i32
    %dma_start3A_272 = arith.constant 0 : i32
    %dma_start3A_273 = tpu.memref_slice %arg3[%dma_start3A_271, %arg1, %add3A_270, %dma_start3A_272] : memref<1x16x1024x1024xf32, #tpu.memory_space<hbm>> -> memref<1x1x16x1024xf32, #tpu.memory_space<hbm>>
    %dma_start3A_274 = tpu.memref_squeeze %dma_start3A_273 : memref<1x1x16x1024xf32, #tpu.memory_space<hbm>> -> memref<16x1024xf32, #tpu.memory_space<hbm>>
    %dma_start3A_275 = arith.constant 0 : i32
    %dma_start3A_276 = tpu.memref_slice %arg3[%dma_start3A_271, %arg1, %add3A_270, %dma_start3A_275] : memref<1x16x1024x1024xf32, #tpu.memory_space<hbm>> -> memref<1x1x16x1024xf32, #tpu.memory_space<hbm>>
    %dma_start3A_277 = tpu.memref_squeeze %dma_start3A_276 : memref<1x1x16x1024xf32, #tpu.memory_space<hbm>> -> memref<16x1024xf32, #tpu.memory_space<hbm>>
    tpu.enqueue_dma source(%arg5 : memref<16x1024xf32, #tpu.memory_space<vmem>>) target(%dma_start3A_277 : memref<16x1024xf32, #tpu.memory_space<hbm>>) target_semaphore(%arg6 : memref<!tpu.dma_semaphore, #tpu.memory_space<semaphore_mem>>)
    %add3A_278 = arith.constant 992 : i32
    %add3A_279 = arith.addi %add3A_278, %mul3A_0 : i32
    %dma_start3A_280 = arith.constant 0 : i32
    %dma_start3A_281 = arith.constant 0 : i32
    %dma_start3A_282 = tpu.memref_slice %arg3[%dma_start3A_280, %arg1, %add3A_279, %dma_start3A_281] : memref<1x16x1024x1024xf32, #tpu.memory_space<hbm>> -> memref<1x1x16x1024xf32, #tpu.memory_space<hbm>>
    %dma_start3A_283 = tpu.memref_squeeze %dma_start3A_282 : memref<1x1x16x1024xf32, #tpu.memory_space<hbm>> -> memref<16x1024xf32, #tpu.memory_space<hbm>>
    %dma_start3A_284 = arith.constant 0 : i32
    %dma_start3A_285 = tpu.memref_slice %arg3[%dma_start3A_280, %arg1, %add3A_279, %dma_start3A_284] : memref<1x16x1024x1024xf32, #tpu.memory_space<hbm>> -> memref<1x1x16x1024xf32, #tpu.memory_space<hbm>>
    %dma_start3A_286 = tpu.memref_squeeze %dma_start3A_285 : memref<1x1x16x1024xf32, #tpu.memory_space<hbm>> -> memref<16x1024xf32, #tpu.memory_space<hbm>>
    tpu.enqueue_dma source(%arg5 : memref<16x1024xf32, #tpu.memory_space<vmem>>) target(%dma_start3A_286 : memref<16x1024xf32, #tpu.memory_space<hbm>>) target_semaphore(%arg6 : memref<!tpu.dma_semaphore, #tpu.memory_space<semaphore_mem>>)
    %dma_wait3A = arith.constant 0 : i32
    %dma_wait3A_287 = arith.constant 0 : i32
    %dma_wait3A_288 = tpu.memref_slice %arg3[%dma_wait3A, %arg1, %add3A_1, %dma_wait3A_287] : memref<1x16x1024x1024xf32, #tpu.memory_space<hbm>> -> memref<1x1x16x1024xf32, #tpu.memory_space<hbm>>
    %dma_wait3A_289 = tpu.memref_squeeze %dma_wait3A_288 : memref<1x1x16x1024xf32, #tpu.memory_space<hbm>> -> memref<16x1024xf32, #tpu.memory_space<hbm>>
    %dma_wait3A_290 = arith.constant 0 : i32
    %dma_wait3A_291 = tpu.memref_slice %arg3[%dma_wait3A, %arg1, %add3A_1, %dma_wait3A_290] : memref<1x16x1024x1024xf32, #tpu.memory_space<hbm>> -> memref<1x1x16x1024xf32, #tpu.memory_space<hbm>>
    %dma_wait3A_292 = tpu.memref_squeeze %dma_wait3A_291 : memref<1x1x16x1024xf32, #tpu.memory_space<hbm>> -> memref<16x1024xf32, #tpu.memory_space<hbm>>
    tpu.wait_dma2 semaphore(%arg6 : memref<!tpu.dma_semaphore, #tpu.memory_space<semaphore_mem>>) src(%arg5 : memref<16x1024xf32, #tpu.memory_space<vmem>>) dst(%dma_wait3A_292 : memref<16x1024xf32, #tpu.memory_space<hbm>>)
    %dma_wait3A_293 = arith.constant 0 : i32
    %dma_wait3A_294 = arith.constant 0 : i32
    %dma_wait3A_295 = tpu.memref_slice %arg3[%dma_wait3A_293, %arg1, %add3A_9, %dma_wait3A_294] : memref<1x16x1024x1024xf32, #tpu.memory_space<hbm>> -> memref<1x1x16x1024xf32, #tpu.memory_space<hbm>>
    %dma_wait3A_296 = tpu.memref_squeeze %dma_wait3A_295 : memref<1x1x16x1024xf32, #tpu.memory_space<hbm>> -> memref<16x1024xf32, #tpu.memory_space<hbm>>
    %dma_wait3A_297 = arith.constant 0 : i32
    %dma_wait3A_298 = tpu.memref_slice %arg3[%dma_wait3A_293, %arg1, %add3A_9, %dma_wait3A_297] : memref<1x16x1024x1024xf32, #tpu.memory_space<hbm>> -> memref<1x1x16x1024xf32, #tpu.memory_space<hbm>>
    %dma_wait3A_299 = tpu.memref_squeeze %dma_wait3A_298 : memref<1x1x16x1024xf32, #tpu.memory_space<hbm>> -> memref<16x1024xf32, #tpu.memory_space<hbm>>
    tpu.wait_dma2 semaphore(%arg6 : memref<!tpu.dma_semaphore, #tpu.memory_space<semaphore_mem>>) src(%arg5 : memref<16x1024xf32, #tpu.memory_space<vmem>>) dst(%dma_wait3A_299 : memref<16x1024xf32, #tpu.memory_space<hbm>>)
    %dma_wait3A_300 = arith.constant 0 : i32
    %dma_wait3A_301 = arith.constant 0 : i32
    %dma_wait3A_302 = tpu.memref_slice %arg3[%dma_wait3A_300, %arg1, %add3A_18, %dma_wait3A_301] : memref<1x16x1024x1024xf32, #tpu.memory_space<hbm>> -> memref<1x1x16x1024xf32, #tpu.memory_space<hbm>>
    %dma_wait3A_303 = tpu.memref_squeeze %dma_wait3A_302 : memref<1x1x16x1024xf32, #tpu.memory_space<hbm>> -> memref<16x1024xf32, #tpu.memory_space<hbm>>
    %dma_wait3A_304 = arith.constant 0 : i32
    %dma_wait3A_305 = tpu.memref_slice %arg3[%dma_wait3A_300, %arg1, %add3A_18, %dma_wait3A_304] : memref<1x16x1024x1024xf32, #tpu.memory_space<hbm>> -> memref<1x1x16x1024xf32, #tpu.memory_space<hbm>>
    %dma_wait3A_306 = tpu.memref_squeeze %dma_wait3A_305 : memref<1x1x16x1024xf32, #tpu.memory_space<hbm>> -> memref<16x1024xf32, #tpu.memory_space<hbm>>
    tpu.wait_dma2 semaphore(%arg6 : memref<!tpu.dma_semaphore, #tpu.memory_space<semaphore_mem>>) src(%arg5 : memref<16x1024xf32, #tpu.memory_space<vmem>>) dst(%dma_wait3A_306 : memref<16x1024xf32, #tpu.memory_space<hbm>>)
    %dma_wait3A_307 = arith.constant 0 : i32
    %dma_wait3A_308 = arith.constant 0 : i32
    %dma_wait3A_309 = tpu.memref_slice %arg3[%dma_wait3A_307, %arg1, %add3A_27, %dma_wait3A_308] : memref<1x16x1024x1024xf32, #tpu.memory_space<hbm>> -> memref<1x1x16x1024xf32, #tpu.memory_space<hbm>>
    %dma_wait3A_310 = tpu.memref_squeeze %dma_wait3A_309 : memref<1x1x16x1024xf32, #tpu.memory_space<hbm>> -> memref<16x1024xf32, #tpu.memory_space<hbm>>
    %dma_wait3A_311 = arith.constant 0 : i32
    %dma_wait3A_312 = tpu.memref_slice %arg3[%dma_wait3A_307, %arg1, %add3A_27, %dma_wait3A_311] : memref<1x16x1024x1024xf32, #tpu.memory_space<hbm>> -> memref<1x1x16x1024xf32, #tpu.memory_space<hbm>>
    %dma_wait3A_313 = tpu.memref_squeeze %dma_wait3A_312 : memref<1x1x16x1024xf32, #tpu.memory_space<hbm>> -> memref<16x1024xf32, #tpu.memory_space<hbm>>
    tpu.wait_dma2 semaphore(%arg6 : memref<!tpu.dma_semaphore, #tpu.memory_space<semaphore_mem>>) src(%arg5 : memref<16x1024xf32, #tpu.memory_space<vmem>>) dst(%dma_wait3A_313 : memref<16x1024xf32, #tpu.memory_space<hbm>>)
    %dma_wait3A_314 = arith.constant 0 : i32
    %dma_wait3A_315 = arith.constant 0 : i32
    %dma_wait3A_316 = tpu.memref_slice %arg3[%dma_wait3A_314, %arg1, %add3A_36, %dma_wait3A_315] : memref<1x16x1024x1024xf32, #tpu.memory_space<hbm>> -> memref<1x1x16x1024xf32, #tpu.memory_space<hbm>>
    %dma_wait3A_317 = tpu.memref_squeeze %dma_wait3A_316 : memref<1x1x16x1024xf32, #tpu.memory_space<hbm>> -> memref<16x1024xf32, #tpu.memory_space<hbm>>
    %dma_wait3A_318 = arith.constant 0 : i32
    %dma_wait3A_319 = tpu.memref_slice %arg3[%dma_wait3A_314, %arg1, %add3A_36, %dma_wait3A_318] : memref<1x16x1024x1024xf32, #tpu.memory_space<hbm>> -> memref<1x1x16x1024xf32, #tpu.memory_space<hbm>>
    %dma_wait3A_320 = tpu.memref_squeeze %dma_wait3A_319 : memref<1x1x16x1024xf32, #tpu.memory_space<hbm>> -> memref<16x1024xf32, #tpu.memory_space<hbm>>
    tpu.wait_dma2 semaphore(%arg6 : memref<!tpu.dma_semaphore, #tpu.memory_space<semaphore_mem>>) src(%arg5 : memref<16x1024xf32, #tpu.memory_space<vmem>>) dst(%dma_wait3A_320 : memref<16x1024xf32, #tpu.memory_space<hbm>>)
    %dma_wait3A_321 = arith.constant 0 : i32
    %dma_wait3A_322 = arith.constant 0 : i32
    %dma_wait3A_323 = tpu.memref_slice %arg3[%dma_wait3A_321, %arg1, %add3A_45, %dma_wait3A_322] : memref<1x16x1024x1024xf32, #tpu.memory_space<hbm>> -> memref<1x1x16x1024xf32, #tpu.memory_space<hbm>>
    %dma_wait3A_324 = tpu.memref_squeeze %dma_wait3A_323 : memref<1x1x16x1024xf32, #tpu.memory_space<hbm>> -> memref<16x1024xf32, #tpu.memory_space<hbm>>
    %dma_wait3A_325 = arith.constant 0 : i32
    %dma_wait3A_326 = tpu.memref_slice %arg3[%dma_wait3A_321, %arg1, %add3A_45, %dma_wait3A_325] : memref<1x16x1024x1024xf32, #tpu.memory_space<hbm>> -> memref<1x1x16x1024xf32, #tpu.memory_space<hbm>>
    %dma_wait3A_327 = tpu.memref_squeeze %dma_wait3A_326 : memref<1x1x16x1024xf32, #tpu.memory_space<hbm>> -> memref<16x1024xf32, #tpu.memory_space<hbm>>
    tpu.wait_dma2 semaphore(%arg6 : memref<!tpu.dma_semaphore, #tpu.memory_space<semaphore_mem>>) src(%arg5 : memref<16x1024xf32, #tpu.memory_space<vmem>>) dst(%dma_wait3A_327 : memref<16x1024xf32, #tpu.memory_space<hbm>>)
    %dma_wait3A_328 = arith.constant 0 : i32
    %dma_wait3A_329 = arith.constant 0 : i32
    %dma_wait3A_330 = tpu.memref_slice %arg3[%dma_wait3A_328, %arg1, %add3A_54, %dma_wait3A_329] : memref<1x16x1024x1024xf32, #tpu.memory_space<hbm>> -> memref<1x1x16x1024xf32, #tpu.memory_space<hbm>>
    %dma_wait3A_331 = tpu.memref_squeeze %dma_wait3A_330 : memref<1x1x16x1024xf32, #tpu.memory_space<hbm>> -> memref<16x1024xf32, #tpu.memory_space<hbm>>
    %dma_wait3A_332 = arith.constant 0 : i32
    %dma_wait3A_333 = tpu.memref_slice %arg3[%dma_wait3A_328, %arg1, %add3A_54, %dma_wait3A_332] : memref<1x16x1024x1024xf32, #tpu.memory_space<hbm>> -> memref<1x1x16x1024xf32, #tpu.memory_space<hbm>>
    %dma_wait3A_334 = tpu.memref_squeeze %dma_wait3A_333 : memref<1x1x16x1024xf32, #tpu.memory_space<hbm>> -> memref<16x1024xf32, #tpu.memory_space<hbm>>
    tpu.wait_dma2 semaphore(%arg6 : memref<!tpu.dma_semaphore, #tpu.memory_space<semaphore_mem>>) src(%arg5 : memref<16x1024xf32, #tpu.memory_space<vmem>>) dst(%dma_wait3A_334 : memref<16x1024xf32, #tpu.memory_space<hbm>>)
    %dma_wait3A_335 = arith.constant 0 : i32
    %dma_wait3A_336 = arith.constant 0 : i32
    %dma_wait3A_337 = tpu.memref_slice %arg3[%dma_wait3A_335, %arg1, %add3A_63, %dma_wait3A_336] : memref<1x16x1024x1024xf32, #tpu.memory_space<hbm>> -> memref<1x1x16x1024xf32, #tpu.memory_space<hbm>>
    %dma_wait3A_338 = tpu.memref_squeeze %dma_wait3A_337 : memref<1x1x16x1024xf32, #tpu.memory_space<hbm>> -> memref<16x1024xf32, #tpu.memory_space<hbm>>
    %dma_wait3A_339 = arith.constant 0 : i32
    %dma_wait3A_340 = tpu.memref_slice %arg3[%dma_wait3A_335, %arg1, %add3A_63, %dma_wait3A_339] : memref<1x16x1024x1024xf32, #tpu.memory_space<hbm>> -> memref<1x1x16x1024xf32, #tpu.memory_space<hbm>>
    %dma_wait3A_341 = tpu.memref_squeeze %dma_wait3A_340 : memref<1x1x16x1024xf32, #tpu.memory_space<hbm>> -> memref<16x1024xf32, #tpu.memory_space<hbm>>
    tpu.wait_dma2 semaphore(%arg6 : memref<!tpu.dma_semaphore, #tpu.memory_space<semaphore_mem>>) src(%arg5 : memref<16x1024xf32, #tpu.memory_space<vmem>>) dst(%dma_wait3A_341 : memref<16x1024xf32, #tpu.memory_space<hbm>>)
    %dma_wait3A_342 = arith.constant 0 : i32
    %dma_wait3A_343 = arith.constant 0 : i32
    %dma_wait3A_344 = tpu.memref_slice %arg3[%dma_wait3A_342, %arg1, %add3A_72, %dma_wait3A_343] : memref<1x16x1024x1024xf32, #tpu.memory_space<hbm>> -> memref<1x1x16x1024xf32, #tpu.memory_space<hbm>>
    %dma_wait3A_345 = tpu.memref_squeeze %dma_wait3A_344 : memref<1x1x16x1024xf32, #tpu.memory_space<hbm>> -> memref<16x1024xf32, #tpu.memory_space<hbm>>
    %dma_wait3A_346 = arith.constant 0 : i32
    %dma_wait3A_347 = tpu.memref_slice %arg3[%dma_wait3A_342, %arg1, %add3A_72, %dma_wait3A_346] : memref<1x16x1024x1024xf32, #tpu.memory_space<hbm>> -> memref<1x1x16x1024xf32, #tpu.memory_space<hbm>>
    %dma_wait3A_348 = tpu.memref_squeeze %dma_wait3A_347 : memref<1x1x16x1024xf32, #tpu.memory_space<hbm>> -> memref<16x1024xf32, #tpu.memory_space<hbm>>
    tpu.wait_dma2 semaphore(%arg6 : memref<!tpu.dma_semaphore, #tpu.memory_space<semaphore_mem>>) src(%arg5 : memref<16x1024xf32, #tpu.memory_space<vmem>>) dst(%dma_wait3A_348 : memref<16x1024xf32, #tpu.memory_space<hbm>>)
    %dma_wait3A_349 = arith.constant 0 : i32
    %dma_wait3A_350 = arith.constant 0 : i32
    %dma_wait3A_351 = tpu.memref_slice %arg3[%dma_wait3A_349, %arg1, %add3A_81, %dma_wait3A_350] : memref<1x16x1024x1024xf32, #tpu.memory_space<hbm>> -> memref<1x1x16x1024xf32, #tpu.memory_space<hbm>>
    %dma_wait3A_352 = tpu.memref_squeeze %dma_wait3A_351 : memref<1x1x16x1024xf32, #tpu.memory_space<hbm>> -> memref<16x1024xf32, #tpu.memory_space<hbm>>
    %dma_wait3A_353 = arith.constant 0 : i32
    %dma_wait3A_354 = tpu.memref_slice %arg3[%dma_wait3A_349, %arg1, %add3A_81, %dma_wait3A_353] : memref<1x16x1024x1024xf32, #tpu.memory_space<hbm>> -> memref<1x1x16x1024xf32, #tpu.memory_space<hbm>>
    %dma_wait3A_355 = tpu.memref_squeeze %dma_wait3A_354 : memref<1x1x16x1024xf32, #tpu.memory_space<hbm>> -> memref<16x1024xf32, #tpu.memory_space<hbm>>
    tpu.wait_dma2 semaphore(%arg6 : memref<!tpu.dma_semaphore, #tpu.memory_space<semaphore_mem>>) src(%arg5 : memref<16x1024xf32, #tpu.memory_space<vmem>>) dst(%dma_wait3A_355 : memref<16x1024xf32, #tpu.memory_space<hbm>>)
    %dma_wait3A_356 = arith.constant 0 : i32
    %dma_wait3A_357 = arith.constant 0 : i32
    %dma_wait3A_358 = tpu.memref_slice %arg3[%dma_wait3A_356, %arg1, %add3A_90, %dma_wait3A_357] : memref<1x16x1024x1024xf32, #tpu.memory_space<hbm>> -> memref<1x1x16x1024xf32, #tpu.memory_space<hbm>>
    %dma_wait3A_359 = tpu.memref_squeeze %dma_wait3A_358 : memref<1x1x16x1024xf32, #tpu.memory_space<hbm>> -> memref<16x1024xf32, #tpu.memory_space<hbm>>
    %dma_wait3A_360 = arith.constant 0 : i32
    %dma_wait3A_361 = tpu.memref_slice %arg3[%dma_wait3A_356, %arg1, %add3A_90, %dma_wait3A_360] : memref<1x16x1024x1024xf32, #tpu.memory_space<hbm>> -> memref<1x1x16x1024xf32, #tpu.memory_space<hbm>>
    %dma_wait3A_362 = tpu.memref_squeeze %dma_wait3A_361 : memref<1x1x16x1024xf32, #tpu.memory_space<hbm>> -> memref<16x1024xf32, #tpu.memory_space<hbm>>
    tpu.wait_dma2 semaphore(%arg6 : memref<!tpu.dma_semaphore, #tpu.memory_space<semaphore_mem>>) src(%arg5 : memref<16x1024xf32, #tpu.memory_space<vmem>>) dst(%dma_wait3A_362 : memref<16x1024xf32, #tpu.memory_space<hbm>>)
    %dma_wait3A_363 = arith.constant 0 : i32
    %dma_wait3A_364 = arith.constant 0 : i32
    %dma_wait3A_365 = tpu.memref_slice %arg3[%dma_wait3A_363, %arg1, %add3A_99, %dma_wait3A_364] : memref<1x16x1024x1024xf32, #tpu.memory_space<hbm>> -> memref<1x1x16x1024xf32, #tpu.memory_space<hbm>>
    %dma_wait3A_366 = tpu.memref_squeeze %dma_wait3A_365 : memref<1x1x16x1024xf32, #tpu.memory_space<hbm>> -> memref<16x1024xf32, #tpu.memory_space<hbm>>
    %dma_wait3A_367 = arith.constant 0 : i32
    %dma_wait3A_368 = tpu.memref_slice %arg3[%dma_wait3A_363, %arg1, %add3A_99, %dma_wait3A_367] : memref<1x16x1024x1024xf32, #tpu.memory_space<hbm>> -> memref<1x1x16x1024xf32, #tpu.memory_space<hbm>>
    %dma_wait3A_369 = tpu.memref_squeeze %dma_wait3A_368 : memref<1x1x16x1024xf32, #tpu.memory_space<hbm>> -> memref<16x1024xf32, #tpu.memory_space<hbm>>
    tpu.wait_dma2 semaphore(%arg6 : memref<!tpu.dma_semaphore, #tpu.memory_space<semaphore_mem>>) src(%arg5 : memref<16x1024xf32, #tpu.memory_space<vmem>>) dst(%dma_wait3A_369 : memref<16x1024xf32, #tpu.memory_space<hbm>>)
    %dma_wait3A_370 = arith.constant 0 : i32
    %dma_wait3A_371 = arith.constant 0 : i32
    %dma_wait3A_372 = tpu.memref_slice %arg3[%dma_wait3A_370, %arg1, %add3A_108, %dma_wait3A_371] : memref<1x16x1024x1024xf32, #tpu.memory_space<hbm>> -> memref<1x1x16x1024xf32, #tpu.memory_space<hbm>>
    %dma_wait3A_373 = tpu.memref_squeeze %dma_wait3A_372 : memref<1x1x16x1024xf32, #tpu.memory_space<hbm>> -> memref<16x1024xf32, #tpu.memory_space<hbm>>
    %dma_wait3A_374 = arith.constant 0 : i32
    %dma_wait3A_375 = tpu.memref_slice %arg3[%dma_wait3A_370, %arg1, %add3A_108, %dma_wait3A_374] : memref<1x16x1024x1024xf32, #tpu.memory_space<hbm>> -> memref<1x1x16x1024xf32, #tpu.memory_space<hbm>>
    %dma_wait3A_376 = tpu.memref_squeeze %dma_wait3A_375 : memref<1x1x16x1024xf32, #tpu.memory_space<hbm>> -> memref<16x1024xf32, #tpu.memory_space<hbm>>
    tpu.wait_dma2 semaphore(%arg6 : memref<!tpu.dma_semaphore, #tpu.memory_space<semaphore_mem>>) src(%arg5 : memref<16x1024xf32, #tpu.memory_space<vmem>>) dst(%dma_wait3A_376 : memref<16x1024xf32, #tpu.memory_space<hbm>>)
    %dma_wait3A_377 = arith.constant 0 : i32
    %dma_wait3A_378 = arith.constant 0 : i32
    %dma_wait3A_379 = tpu.memref_slice %arg3[%dma_wait3A_377, %arg1, %add3A_117, %dma_wait3A_378] : memref<1x16x1024x1024xf32, #tpu.memory_space<hbm>> -> memref<1x1x16x1024xf32, #tpu.memory_space<hbm>>
    %dma_wait3A_380 = tpu.memref_squeeze %dma_wait3A_379 : memref<1x1x16x1024xf32, #tpu.memory_space<hbm>> -> memref<16x1024xf32, #tpu.memory_space<hbm>>
    %dma_wait3A_381 = arith.constant 0 : i32
    %dma_wait3A_382 = tpu.memref_slice %arg3[%dma_wait3A_377, %arg1, %add3A_117, %dma_wait3A_381] : memref<1x16x1024x1024xf32, #tpu.memory_space<hbm>> -> memref<1x1x16x1024xf32, #tpu.memory_space<hbm>>
    %dma_wait3A_383 = tpu.memref_squeeze %dma_wait3A_382 : memref<1x1x16x1024xf32, #tpu.memory_space<hbm>> -> memref<16x1024xf32, #tpu.memory_space<hbm>>
    tpu.wait_dma2 semaphore(%arg6 : memref<!tpu.dma_semaphore, #tpu.memory_space<semaphore_mem>>) src(%arg5 : memref<16x1024xf32, #tpu.memory_space<vmem>>) dst(%dma_wait3A_383 : memref<16x1024xf32, #tpu.memory_space<hbm>>)
    %dma_wait3A_384 = arith.constant 0 : i32
    %dma_wait3A_385 = arith.constant 0 : i32
    %dma_wait3A_386 = tpu.memref_slice %arg3[%dma_wait3A_384, %arg1, %add3A_126, %dma_wait3A_385] : memref<1x16x1024x1024xf32, #tpu.memory_space<hbm>> -> memref<1x1x16x1024xf32, #tpu.memory_space<hbm>>
    %dma_wait3A_387 = tpu.memref_squeeze %dma_wait3A_386 : memref<1x1x16x1024xf32, #tpu.memory_space<hbm>> -> memref<16x1024xf32, #tpu.memory_space<hbm>>
    %dma_wait3A_388 = arith.constant 0 : i32
    %dma_wait3A_389 = tpu.memref_slice %arg3[%dma_wait3A_384, %arg1, %add3A_126, %dma_wait3A_388] : memref<1x16x1024x1024xf32, #tpu.memory_space<hbm>> -> memref<1x1x16x1024xf32, #tpu.memory_space<hbm>>
    %dma_wait3A_390 = tpu.memref_squeeze %dma_wait3A_389 : memref<1x1x16x1024xf32, #tpu.memory_space<hbm>> -> memref<16x1024xf32, #tpu.memory_space<hbm>>
    tpu.wait_dma2 semaphore(%arg6 : memref<!tpu.dma_semaphore, #tpu.memory_space<semaphore_mem>>) src(%arg5 : memref<16x1024xf32, #tpu.memory_space<vmem>>) dst(%dma_wait3A_390 : memref<16x1024xf32, #tpu.memory_space<hbm>>)
    %dma_wait3A_391 = arith.constant 0 : i32
    %dma_wait3A_392 = arith.constant 0 : i32
    %dma_wait3A_393 = tpu.memref_slice %arg3[%dma_wait3A_391, %arg1, %add3A_135, %dma_wait3A_392] : memref<1x16x1024x1024xf32, #tpu.memory_space<hbm>> -> memref<1x1x16x1024xf32, #tpu.memory_space<hbm>>
    %dma_wait3A_394 = tpu.memref_squeeze %dma_wait3A_393 : memref<1x1x16x1024xf32, #tpu.memory_space<hbm>> -> memref<16x1024xf32, #tpu.memory_space<hbm>>
    %dma_wait3A_395 = arith.constant 0 : i32
    %dma_wait3A_396 = tpu.memref_slice %arg3[%dma_wait3A_391, %arg1, %add3A_135, %dma_wait3A_395] : memref<1x16x1024x1024xf32, #tpu.memory_space<hbm>> -> memref<1x1x16x1024xf32, #tpu.memory_space<hbm>>
    %dma_wait3A_397 = tpu.memref_squeeze %dma_wait3A_396 : memref<1x1x16x1024xf32, #tpu.memory_space<hbm>> -> memref<16x1024xf32, #tpu.memory_space<hbm>>
    tpu.wait_dma2 semaphore(%arg6 : memref<!tpu.dma_semaphore, #tpu.memory_space<semaphore_mem>>) src(%arg5 : memref<16x1024xf32, #tpu.memory_space<vmem>>) dst(%dma_wait3A_397 : memref<16x1024xf32, #tpu.memory_space<hbm>>)
    %dma_wait3A_398 = arith.constant 0 : i32
    %dma_wait3A_399 = arith.constant 0 : i32
    %dma_wait3A_400 = tpu.memref_slice %arg3[%dma_wait3A_398, %arg1, %add3A_144, %dma_wait3A_399] : memref<1x16x1024x1024xf32, #tpu.memory_space<hbm>> -> memref<1x1x16x1024xf32, #tpu.memory_space<hbm>>
    %dma_wait3A_401 = tpu.memref_squeeze %dma_wait3A_400 : memref<1x1x16x1024xf32, #tpu.memory_space<hbm>> -> memref<16x1024xf32, #tpu.memory_space<hbm>>
    %dma_wait3A_402 = arith.constant 0 : i32
    %dma_wait3A_403 = tpu.memref_slice %arg3[%dma_wait3A_398, %arg1, %add3A_144, %dma_wait3A_402] : memref<1x16x1024x1024xf32, #tpu.memory_space<hbm>> -> memref<1x1x16x1024xf32, #tpu.memory_space<hbm>>
    %dma_wait3A_404 = tpu.memref_squeeze %dma_wait3A_403 : memref<1x1x16x1024xf32, #tpu.memory_space<hbm>> -> memref<16x1024xf32, #tpu.memory_space<hbm>>
    tpu.wait_dma2 semaphore(%arg6 : memref<!tpu.dma_semaphore, #tpu.memory_space<semaphore_mem>>) src(%arg5 : memref<16x1024xf32, #tpu.memory_space<vmem>>) dst(%dma_wait3A_404 : memref<16x1024xf32, #tpu.memory_space<hbm>>)
    %dma_wait3A_405 = arith.constant 0 : i32
    %dma_wait3A_406 = arith.constant 0 : i32
    %dma_wait3A_407 = tpu.memref_slice %arg3[%dma_wait3A_405, %arg1, %add3A_153, %dma_wait3A_406] : memref<1x16x1024x1024xf32, #tpu.memory_space<hbm>> -> memref<1x1x16x1024xf32, #tpu.memory_space<hbm>>
    %dma_wait3A_408 = tpu.memref_squeeze %dma_wait3A_407 : memref<1x1x16x1024xf32, #tpu.memory_space<hbm>> -> memref<16x1024xf32, #tpu.memory_space<hbm>>
    %dma_wait3A_409 = arith.constant 0 : i32
    %dma_wait3A_410 = tpu.memref_slice %arg3[%dma_wait3A_405, %arg1, %add3A_153, %dma_wait3A_409] : memref<1x16x1024x1024xf32, #tpu.memory_space<hbm>> -> memref<1x1x16x1024xf32, #tpu.memory_space<hbm>>
    %dma_wait3A_411 = tpu.memref_squeeze %dma_wait3A_410 : memref<1x1x16x1024xf32, #tpu.memory_space<hbm>> -> memref<16x1024xf32, #tpu.memory_space<hbm>>
    tpu.wait_dma2 semaphore(%arg6 : memref<!tpu.dma_semaphore, #tpu.memory_space<semaphore_mem>>) src(%arg5 : memref<16x1024xf32, #tpu.memory_space<vmem>>) dst(%dma_wait3A_411 : memref<16x1024xf32, #tpu.memory_space<hbm>>)
    %dma_wait3A_412 = arith.constant 0 : i32
    %dma_wait3A_413 = arith.constant 0 : i32
    %dma_wait3A_414 = tpu.memref_slice %arg3[%dma_wait3A_412, %arg1, %add3A_162, %dma_wait3A_413] : memref<1x16x1024x1024xf32, #tpu.memory_space<hbm>> -> memref<1x1x16x1024xf32, #tpu.memory_space<hbm>>
    %dma_wait3A_415 = tpu.memref_squeeze %dma_wait3A_414 : memref<1x1x16x1024xf32, #tpu.memory_space<hbm>> -> memref<16x1024xf32, #tpu.memory_space<hbm>>
    %dma_wait3A_416 = arith.constant 0 : i32
    %dma_wait3A_417 = tpu.memref_slice %arg3[%dma_wait3A_412, %arg1, %add3A_162, %dma_wait3A_416] : memref<1x16x1024x1024xf32, #tpu.memory_space<hbm>> -> memref<1x1x16x1024xf32, #tpu.memory_space<hbm>>
    %dma_wait3A_418 = tpu.memref_squeeze %dma_wait3A_417 : memref<1x1x16x1024xf32, #tpu.memory_space<hbm>> -> memref<16x1024xf32, #tpu.memory_space<hbm>>
    tpu.wait_dma2 semaphore(%arg6 : memref<!tpu.dma_semaphore, #tpu.memory_space<semaphore_mem>>) src(%arg5 : memref<16x1024xf32, #tpu.memory_space<vmem>>) dst(%dma_wait3A_418 : memref<16x1024xf32, #tpu.memory_space<hbm>>)
    %dma_wait3A_419 = arith.constant 0 : i32
    %dma_wait3A_420 = arith.constant 0 : i32
    %dma_wait3A_421 = tpu.memref_slice %arg3[%dma_wait3A_419, %arg1, %add3A_171, %dma_wait3A_420] : memref<1x16x1024x1024xf32, #tpu.memory_space<hbm>> -> memref<1x1x16x1024xf32, #tpu.memory_space<hbm>>
    %dma_wait3A_422 = tpu.memref_squeeze %dma_wait3A_421 : memref<1x1x16x1024xf32, #tpu.memory_space<hbm>> -> memref<16x1024xf32, #tpu.memory_space<hbm>>
    %dma_wait3A_423 = arith.constant 0 : i32
    %dma_wait3A_424 = tpu.memref_slice %arg3[%dma_wait3A_419, %arg1, %add3A_171, %dma_wait3A_423] : memref<1x16x1024x1024xf32, #tpu.memory_space<hbm>> -> memref<1x1x16x1024xf32, #tpu.memory_space<hbm>>
    %dma_wait3A_425 = tpu.memref_squeeze %dma_wait3A_424 : memref<1x1x16x1024xf32, #tpu.memory_space<hbm>> -> memref<16x1024xf32, #tpu.memory_space<hbm>>
    tpu.wait_dma2 semaphore(%arg6 : memref<!tpu.dma_semaphore, #tpu.memory_space<semaphore_mem>>) src(%arg5 : memref<16x1024xf32, #tpu.memory_space<vmem>>) dst(%dma_wait3A_425 : memref<16x1024xf32, #tpu.memory_space<hbm>>)
    %dma_wait3A_426 = arith.constant 0 : i32
    %dma_wait3A_427 = arith.constant 0 : i32
    %dma_wait3A_428 = tpu.memref_slice %arg3[%dma_wait3A_426, %arg1, %add3A_180, %dma_wait3A_427] : memref<1x16x1024x1024xf32, #tpu.memory_space<hbm>> -> memref<1x1x16x1024xf32, #tpu.memory_space<hbm>>
    %dma_wait3A_429 = tpu.memref_squeeze %dma_wait3A_428 : memref<1x1x16x1024xf32, #tpu.memory_space<hbm>> -> memref<16x1024xf32, #tpu.memory_space<hbm>>
    %dma_wait3A_430 = arith.constant 0 : i32
    %dma_wait3A_431 = tpu.memref_slice %arg3[%dma_wait3A_426, %arg1, %add3A_180, %dma_wait3A_430] : memref<1x16x1024x1024xf32, #tpu.memory_space<hbm>> -> memref<1x1x16x1024xf32, #tpu.memory_space<hbm>>
    %dma_wait3A_432 = tpu.memref_squeeze %dma_wait3A_431 : memref<1x1x16x1024xf32, #tpu.memory_space<hbm>> -> memref<16x1024xf32, #tpu.memory_space<hbm>>
    tpu.wait_dma2 semaphore(%arg6 : memref<!tpu.dma_semaphore, #tpu.memory_space<semaphore_mem>>) src(%arg5 : memref<16x1024xf32, #tpu.memory_space<vmem>>) dst(%dma_wait3A_432 : memref<16x1024xf32, #tpu.memory_space<hbm>>)
    %dma_wait3A_433 = arith.constant 0 : i32
    %dma_wait3A_434 = arith.constant 0 : i32
    %dma_wait3A_435 = tpu.memref_slice %arg3[%dma_wait3A_433, %arg1, %add3A_189, %dma_wait3A_434] : memref<1x16x1024x1024xf32, #tpu.memory_space<hbm>> -> memref<1x1x16x1024xf32, #tpu.memory_space<hbm>>
    %dma_wait3A_436 = tpu.memref_squeeze %dma_wait3A_435 : memref<1x1x16x1024xf32, #tpu.memory_space<hbm>> -> memref<16x1024xf32, #tpu.memory_space<hbm>>
    %dma_wait3A_437 = arith.constant 0 : i32
    %dma_wait3A_438 = tpu.memref_slice %arg3[%dma_wait3A_433, %arg1, %add3A_189, %dma_wait3A_437] : memref<1x16x1024x1024xf32, #tpu.memory_space<hbm>> -> memref<1x1x16x1024xf32, #tpu.memory_space<hbm>>
    %dma_wait3A_439 = tpu.memref_squeeze %dma_wait3A_438 : memref<1x1x16x1024xf32, #tpu.memory_space<hbm>> -> memref<16x1024xf32, #tpu.memory_space<hbm>>
    tpu.wait_dma2 semaphore(%arg6 : memref<!tpu.dma_semaphore, #tpu.memory_space<semaphore_mem>>) src(%arg5 : memref<16x1024xf32, #tpu.memory_space<vmem>>) dst(%dma_wait3A_439 : memref<16x1024xf32, #tpu.memory_space<hbm>>)
    %dma_wait3A_440 = arith.constant 0 : i32
    %dma_wait3A_441 = arith.constant 0 : i32
    %dma_wait3A_442 = tpu.memref_slice %arg3[%dma_wait3A_440, %arg1, %add3A_198, %dma_wait3A_441] : memref<1x16x1024x1024xf32, #tpu.memory_space<hbm>> -> memref<1x1x16x1024xf32, #tpu.memory_space<hbm>>
    %dma_wait3A_443 = tpu.memref_squeeze %dma_wait3A_442 : memref<1x1x16x1024xf32, #tpu.memory_space<hbm>> -> memref<16x1024xf32, #tpu.memory_space<hbm>>
    %dma_wait3A_444 = arith.constant 0 : i32
    %dma_wait3A_445 = tpu.memref_slice %arg3[%dma_wait3A_440, %arg1, %add3A_198, %dma_wait3A_444] : memref<1x16x1024x1024xf32, #tpu.memory_space<hbm>> -> memref<1x1x16x1024xf32, #tpu.memory_space<hbm>>
    %dma_wait3A_446 = tpu.memref_squeeze %dma_wait3A_445 : memref<1x1x16x1024xf32, #tpu.memory_space<hbm>> -> memref<16x1024xf32, #tpu.memory_space<hbm>>
    tpu.wait_dma2 semaphore(%arg6 : memref<!tpu.dma_semaphore, #tpu.memory_space<semaphore_mem>>) src(%arg5 : memref<16x1024xf32, #tpu.memory_space<vmem>>) dst(%dma_wait3A_446 : memref<16x1024xf32, #tpu.memory_space<hbm>>)
    %dma_wait3A_447 = arith.constant 0 : i32
    %dma_wait3A_448 = arith.constant 0 : i32
    %dma_wait3A_449 = tpu.memref_slice %arg3[%dma_wait3A_447, %arg1, %add3A_207, %dma_wait3A_448] : memref<1x16x1024x1024xf32, #tpu.memory_space<hbm>> -> memref<1x1x16x1024xf32, #tpu.memory_space<hbm>>
    %dma_wait3A_450 = tpu.memref_squeeze %dma_wait3A_449 : memref<1x1x16x1024xf32, #tpu.memory_space<hbm>> -> memref<16x1024xf32, #tpu.memory_space<hbm>>
    %dma_wait3A_451 = arith.constant 0 : i32
    %dma_wait3A_452 = tpu.memref_slice %arg3[%dma_wait3A_447, %arg1, %add3A_207, %dma_wait3A_451] : memref<1x16x1024x1024xf32, #tpu.memory_space<hbm>> -> memref<1x1x16x1024xf32, #tpu.memory_space<hbm>>
    %dma_wait3A_453 = tpu.memref_squeeze %dma_wait3A_452 : memref<1x1x16x1024xf32, #tpu.memory_space<hbm>> -> memref<16x1024xf32, #tpu.memory_space<hbm>>
    tpu.wait_dma2 semaphore(%arg6 : memref<!tpu.dma_semaphore, #tpu.memory_space<semaphore_mem>>) src(%arg5 : memref<16x1024xf32, #tpu.memory_space<vmem>>) dst(%dma_wait3A_453 : memref<16x1024xf32, #tpu.memory_space<hbm>>)
    %dma_wait3A_454 = arith.constant 0 : i32
    %dma_wait3A_455 = arith.constant 0 : i32
    %dma_wait3A_456 = tpu.memref_slice %arg3[%dma_wait3A_454, %arg1, %add3A_216, %dma_wait3A_455] : memref<1x16x1024x1024xf32, #tpu.memory_space<hbm>> -> memref<1x1x16x1024xf32, #tpu.memory_space<hbm>>
    %dma_wait3A_457 = tpu.memref_squeeze %dma_wait3A_456 : memref<1x1x16x1024xf32, #tpu.memory_space<hbm>> -> memref<16x1024xf32, #tpu.memory_space<hbm>>
    %dma_wait3A_458 = arith.constant 0 : i32
    %dma_wait3A_459 = tpu.memref_slice %arg3[%dma_wait3A_454, %arg1, %add3A_216, %dma_wait3A_458] : memref<1x16x1024x1024xf32, #tpu.memory_space<hbm>> -> memref<1x1x16x1024xf32, #tpu.memory_space<hbm>>
    %dma_wait3A_460 = tpu.memref_squeeze %dma_wait3A_459 : memref<1x1x16x1024xf32, #tpu.memory_space<hbm>> -> memref<16x1024xf32, #tpu.memory_space<hbm>>
    tpu.wait_dma2 semaphore(%arg6 : memref<!tpu.dma_semaphore, #tpu.memory_space<semaphore_mem>>) src(%arg5 : memref<16x1024xf32, #tpu.memory_space<vmem>>) dst(%dma_wait3A_460 : memref<16x1024xf32, #tpu.memory_space<hbm>>)
    %dma_wait3A_461 = arith.constant 0 : i32
    %dma_wait3A_462 = arith.constant 0 : i32
    %dma_wait3A_463 = tpu.memref_slice %arg3[%dma_wait3A_461, %arg1, %add3A_225, %dma_wait3A_462] : memref<1x16x1024x1024xf32, #tpu.memory_space<hbm>> -> memref<1x1x16x1024xf32, #tpu.memory_space<hbm>>
    %dma_wait3A_464 = tpu.memref_squeeze %dma_wait3A_463 : memref<1x1x16x1024xf32, #tpu.memory_space<hbm>> -> memref<16x1024xf32, #tpu.memory_space<hbm>>
    %dma_wait3A_465 = arith.constant 0 : i32
    %dma_wait3A_466 = tpu.memref_slice %arg3[%dma_wait3A_461, %arg1, %add3A_225, %dma_wait3A_465] : memref<1x16x1024x1024xf32, #tpu.memory_space<hbm>> -> memref<1x1x16x1024xf32, #tpu.memory_space<hbm>>
    %dma_wait3A_467 = tpu.memref_squeeze %dma_wait3A_466 : memref<1x1x16x1024xf32, #tpu.memory_space<hbm>> -> memref<16x1024xf32, #tpu.memory_space<hbm>>
    tpu.wait_dma2 semaphore(%arg6 : memref<!tpu.dma_semaphore, #tpu.memory_space<semaphore_mem>>) src(%arg5 : memref<16x1024xf32, #tpu.memory_space<vmem>>) dst(%dma_wait3A_467 : memref<16x1024xf32, #tpu.memory_space<hbm>>)
    %dma_wait3A_468 = arith.constant 0 : i32
    %dma_wait3A_469 = arith.constant 0 : i32
    %dma_wait3A_470 = tpu.memref_slice %arg3[%dma_wait3A_468, %arg1, %add3A_234, %dma_wait3A_469] : memref<1x16x1024x1024xf32, #tpu.memory_space<hbm>> -> memref<1x1x16x1024xf32, #tpu.memory_space<hbm>>
    %dma_wait3A_471 = tpu.memref_squeeze %dma_wait3A_470 : memref<1x1x16x1024xf32, #tpu.memory_space<hbm>> -> memref<16x1024xf32, #tpu.memory_space<hbm>>
    %dma_wait3A_472 = arith.constant 0 : i32
    %dma_wait3A_473 = tpu.memref_slice %arg3[%dma_wait3A_468, %arg1, %add3A_234, %dma_wait3A_472] : memref<1x16x1024x1024xf32, #tpu.memory_space<hbm>> -> memref<1x1x16x1024xf32, #tpu.memory_space<hbm>>
    %dma_wait3A_474 = tpu.memref_squeeze %dma_wait3A_473 : memref<1x1x16x1024xf32, #tpu.memory_space<hbm>> -> memref<16x1024xf32, #tpu.memory_space<hbm>>
    tpu.wait_dma2 semaphore(%arg6 : memref<!tpu.dma_semaphore, #tpu.memory_space<semaphore_mem>>) src(%arg5 : memref<16x1024xf32, #tpu.memory_space<vmem>>) dst(%dma_wait3A_474 : memref<16x1024xf32, #tpu.memory_space<hbm>>)
    %dma_wait3A_475 = arith.constant 0 : i32
    %dma_wait3A_476 = arith.constant 0 : i32
    %dma_wait3A_477 = tpu.memref_slice %arg3[%dma_wait3A_475, %arg1, %add3A_243, %dma_wait3A_476] : memref<1x16x1024x1024xf32, #tpu.memory_space<hbm>> -> memref<1x1x16x1024xf32, #tpu.memory_space<hbm>>
    %dma_wait3A_478 = tpu.memref_squeeze %dma_wait3A_477 : memref<1x1x16x1024xf32, #tpu.memory_space<hbm>> -> memref<16x1024xf32, #tpu.memory_space<hbm>>
    %dma_wait3A_479 = arith.constant 0 : i32
    %dma_wait3A_480 = tpu.memref_slice %arg3[%dma_wait3A_475, %arg1, %add3A_243, %dma_wait3A_479] : memref<1x16x1024x1024xf32, #tpu.memory_space<hbm>> -> memref<1x1x16x1024xf32, #tpu.memory_space<hbm>>
    %dma_wait3A_481 = tpu.memref_squeeze %dma_wait3A_480 : memref<1x1x16x1024xf32, #tpu.memory_space<hbm>> -> memref<16x1024xf32, #tpu.memory_space<hbm>>
    tpu.wait_dma2 semaphore(%arg6 : memref<!tpu.dma_semaphore, #tpu.memory_space<semaphore_mem>>) src(%arg5 : memref<16x1024xf32, #tpu.memory_space<vmem>>) dst(%dma_wait3A_481 : memref<16x1024xf32, #tpu.memory_space<hbm>>)
    %dma_wait3A_482 = arith.constant 0 : i32
    %dma_wait3A_483 = arith.constant 0 : i32
    %dma_wait3A_484 = tpu.memref_slice %arg3[%dma_wait3A_482, %arg1, %add3A_252, %dma_wait3A_483] : memref<1x16x1024x1024xf32, #tpu.memory_space<hbm>> -> memref<1x1x16x1024xf32, #tpu.memory_space<hbm>>
    %dma_wait3A_485 = tpu.memref_squeeze %dma_wait3A_484 : memref<1x1x16x1024xf32, #tpu.memory_space<hbm>> -> memref<16x1024xf32, #tpu.memory_space<hbm>>
    %dma_wait3A_486 = arith.constant 0 : i32
    %dma_wait3A_487 = tpu.memref_slice %arg3[%dma_wait3A_482, %arg1, %add3A_252, %dma_wait3A_486] : memref<1x16x1024x1024xf32, #tpu.memory_space<hbm>> -> memref<1x1x16x1024xf32, #tpu.memory_space<hbm>>
    %dma_wait3A_488 = tpu.memref_squeeze %dma_wait3A_487 : memref<1x1x16x1024xf32, #tpu.memory_space<hbm>> -> memref<16x1024xf32, #tpu.memory_space<hbm>>
    tpu.wait_dma2 semaphore(%arg6 : memref<!tpu.dma_semaphore, #tpu.memory_space<semaphore_mem>>) src(%arg5 : memref<16x1024xf32, #tpu.memory_space<vmem>>) dst(%dma_wait3A_488 : memref<16x1024xf32, #tpu.memory_space<hbm>>)
    %dma_wait3A_489 = arith.constant 0 : i32
    %dma_wait3A_490 = arith.constant 0 : i32
    %dma_wait3A_491 = tpu.memref_slice %arg3[%dma_wait3A_489, %arg1, %add3A_261, %dma_wait3A_490] : memref<1x16x1024x1024xf32, #tpu.memory_space<hbm>> -> memref<1x1x16x1024xf32, #tpu.memory_space<hbm>>
    %dma_wait3A_492 = tpu.memref_squeeze %dma_wait3A_491 : memref<1x1x16x1024xf32, #tpu.memory_space<hbm>> -> memref<16x1024xf32, #tpu.memory_space<hbm>>
    %dma_wait3A_493 = arith.constant 0 : i32
    %dma_wait3A_494 = tpu.memref_slice %arg3[%dma_wait3A_489, %arg1, %add3A_261, %dma_wait3A_493] : memref<1x16x1024x1024xf32, #tpu.memory_space<hbm>> -> memref<1x1x16x1024xf32, #tpu.memory_space<hbm>>
    %dma_wait3A_495 = tpu.memref_squeeze %dma_wait3A_494 : memref<1x1x16x1024xf32, #tpu.memory_space<hbm>> -> memref<16x1024xf32, #tpu.memory_space<hbm>>
    tpu.wait_dma2 semaphore(%arg6 : memref<!tpu.dma_semaphore, #tpu.memory_space<semaphore_mem>>) src(%arg5 : memref<16x1024xf32, #tpu.memory_space<vmem>>) dst(%dma_wait3A_495 : memref<16x1024xf32, #tpu.memory_space<hbm>>)
    %dma_wait3A_496 = arith.constant 0 : i32
    %dma_wait3A_497 = arith.constant 0 : i32
    %dma_wait3A_498 = tpu.memref_slice %arg3[%dma_wait3A_496, %arg1, %add3A_270, %dma_wait3A_497] : memref<1x16x1024x1024xf32, #tpu.memory_space<hbm>> -> memref<1x1x16x1024xf32, #tpu.memory_space<hbm>>
    %dma_wait3A_499 = tpu.memref_squeeze %dma_wait3A_498 : memref<1x1x16x1024xf32, #tpu.memory_space<hbm>> -> memref<16x1024xf32, #tpu.memory_space<hbm>>
    %dma_wait3A_500 = arith.constant 0 : i32
    %dma_wait3A_501 = tpu.memref_slice %arg3[%dma_wait3A_496, %arg1, %add3A_270, %dma_wait3A_500] : memref<1x16x1024x1024xf32, #tpu.memory_space<hbm>> -> memref<1x1x16x1024xf32, #tpu.memory_space<hbm>>
    %dma_wait3A_502 = tpu.memref_squeeze %dma_wait3A_501 : memref<1x1x16x1024xf32, #tpu.memory_space<hbm>> -> memref<16x1024xf32, #tpu.memory_space<hbm>>
    tpu.wait_dma2 semaphore(%arg6 : memref<!tpu.dma_semaphore, #tpu.memory_space<semaphore_mem>>) src(%arg5 : memref<16x1024xf32, #tpu.memory_space<vmem>>) dst(%dma_wait3A_502 : memref<16x1024xf32, #tpu.memory_space<hbm>>)
    %dma_wait3A_503 = arith.constant 0 : i32
    %dma_wait3A_504 = arith.constant 0 : i32
    %dma_wait3A_505 = tpu.memref_slice %arg3[%dma_wait3A_503, %arg1, %add3A_279, %dma_wait3A_504] : memref<1x16x1024x1024xf32, #tpu.memory_space<hbm>> -> memref<1x1x16x1024xf32, #tpu.memory_space<hbm>>
    %dma_wait3A_506 = tpu.memref_squeeze %dma_wait3A_505 : memref<1x1x16x1024xf32, #tpu.memory_space<hbm>> -> memref<16x1024xf32, #tpu.memory_space<hbm>>
    %dma_wait3A_507 = arith.constant 0 : i32
    %dma_wait3A_508 = tpu.memref_slice %arg3[%dma_wait3A_503, %arg1, %add3A_279, %dma_wait3A_507] : memref<1x16x1024x1024xf32, #tpu.memory_space<hbm>> -> memref<1x1x16x1024xf32, #tpu.memory_space<hbm>>
    %dma_wait3A_509 = tpu.memref_squeeze %dma_wait3A_508 : memref<1x1x16x1024xf32, #tpu.memory_space<hbm>> -> memref<16x1024xf32, #tpu.memory_space<hbm>>
    tpu.wait_dma2 semaphore(%arg6 : memref<!tpu.dma_semaphore, #tpu.memory_space<semaphore_mem>>) src(%arg5 : memref<16x1024xf32, #tpu.memory_space<vmem>>) dst(%dma_wait3A_509 : memref<16x1024xf32, #tpu.memory_space<hbm>>)
    return
  }
}

</mosaic_0001>

<sc_bundles>
// kernel: kernel.3.cloned.1.call-start
scs
__scs_entry_jumppad:
0x0: {  	(pc) =	sbr.rel $0x88, $3  }
0x1: {  	(tag) =	ssettag $0x0;
	lr =	simm.s32 $0x1  }
0x2: {  	[smem:$0x3FA0] =	sst lr;
	_ =	strace $0xD0000000  }
0x3: {  	_ = 	snop  }
0x4: {  	_ = 	snop  }
0x5: {  	_ = 	snop  }
0x6: {  	_ = 	snop  }
0x7: {  	_ = 	snop  }
__scs_overlays_trampoline_lowered:
0x8: {  	[smem:$0x3FAF] =	sst s0  }
0x9: {  	[smem:$0x3FB0] =	sst s1  }
0xa: {  	[smem:$0x3FB1] =	sst s2  }
0xb: {  	[smem:$0x3FB2] =	sst s3  }
0xc: {  	[smem:$0x3FB3] =	sst s4  }
0xd: {  	[smem:$0x3FB4] =	sst s5  }
0xe: {  	[smem:$0x3FB5] =	sst s6  }
0xf: {  	[smem:$0x3FB6] =	sst s7  }
0x10: {  	[smem:$0x3FB7] =	sst s8  }
0x11: {  	[smem:$0x3FB8] =	sst s9;
	s0 =	simm.s32 @!p0 $0x0  }
0x12: {  	s1 =	sld [smem:$0x3F9E];
	s0 =	simm.s32 @p0 $0x1  }
0x13: {  	[smem:$0x3FB9] =	sst s0;
	s0 =	simm.s32 @!p1 $0x0  }
0x14: {  	s2 =	sld [smem:$0x3F9D];
	s0 =	simm.s32 @p1 $0x1  }
0x15: {  	[smem:$0x3FBA] =	sst s0;
	s0 =	simm.s32 @!p2 $0x0  }
0x16: {  	s3 =	sld [smem:$0x3FDB];
	s0 =	simm.s32 @p2 $0x1  }
0x17: {  	s4 =	simm.s32 $0x1BF5;
	[smem:$0x3FBC] =	sst s0  }
0x18: {  	s0 =	sld [smem:$0x3F9F];
	_ =	swait.ge [sflag:s4], $0x0  }
0x19: {  	s7 =	sld [smem:$0x3FA0]  }
0x1a: {  	s8 =	sadd.s32 $0xFFFFE003, lr  }
0x1b: {  	s9 =	sadd.s32 $0xFFFFFEF7, lr;
	s5 =	simm.s32 $0xFFFFFFFF;
	p2 =	slt.u32 s8, $0xFFFFF086  }
0x1c: {  	p1 =	slt.u32 s9, $0xF7A;
	s5 =	simm.s32 @!p2 $0x0  }
0x1d: {  	s5 =	simm.s32 @p1 $0x1;
	p0 =	seq.s32 s7, s2  }
0x1e: {  	s7 =	smul.u32 @!p0 $0xF7A, s2;
	p2 =	seq.s32 @!p0 s5, $0x0  }
0x1f: {  	s9 =	smul.u32 $0xF7A, s1;
	s8 =	simm.s32 @!p0 $0x1BF5;
	p2 =	por !p2, p0  }
0x20: {  	[sflag:s8] =	ssyncset.s32 @!p0 $0xFFFFF086;
	s6 =	sadd.s32 @!p0 s3, s7;
	s7 =	simm.s32 @!p0 $0x108  }
0x21: {  	s3 =	sadd.s32 s3, s9;
	s6 =	sadd.s32 @!p0 $0x88, s6;
	s7 =	simm.s32 @p2 $0x1082  }
0x22: {  	[simem:s7], [sflag:s8] =	dma.local @!p0 [hbm:s6], $0xF7A  }
0x23: {  	s9 =	sor.u32 $0xD0000000, s2;
	s6 =	simm.s32 $0x108;
	_ =	swait.ge @!p0 [sflag:s8], $0x0  }
0x24: {  	s3 =	sadd.s32 $0x88, s3;
	s6 =	simm.s32 @!p1 $0x1082;
	[sflag:s4] =	ssyncset.s32 $0xFFFFF086  }
0x25: {  	[simem:s6], [sflag:s4] =	dma.local [hbm:s3], $0xF7A  }
0x26: {  	[smem:$0x3FA0] =	sst s1;
	(tag) =	ssettag s2;
	_ =	strace s9  }
0x27: {  	s1 =	sld [smem:$0x3FB0]  }
0x28: {  	s2 =	sld [smem:$0x3FB1]  }
0x29: {  	s4 =	sld [smem:$0x3FB3]  }
0x2a: {  	p0 =	seq.s32 s5, $0x0;
	s5 =	sld [smem:$0x3FB4]  }
0x2b: {  	s6 =	sld [smem:$0x3FB5]  }
0x2c: {  	s7 =	sld [smem:$0x3FB6]  }
0x2d: {  	s3 =	simm.s32 $0x108;
	s8 =	sld [smem:$0x3FB7]  }
0x2e: {  	s3 =	simm.s32 @!p0 $0x1082;
	s9 =	sld [smem:$0x3FB8]  }
0x2f: {  	lr =	sadd.s32 s0, s3;
	s0 =	sld [smem:$0x3FAF]  }
0x30: {  	s3 =	sld [smem:$0x3FB2]  }
0x31: {  	[smem:$0x3FBB] =	sst s10  }
0x32: {  	s10 =	sld [smem:$0x3FB9];
	_ =	sdelay $0x3  }
0x33: {  	p0 =	seq.s32 s10, $0x1;
	s10 =	sld [smem:$0x3FBB];
	_ =	sdelay $0x3  }
0x34: {  	[smem:$0x3FBB] =	sst s10  }
0x35: {  	s10 =	sld [smem:$0x3FBA];
	_ =	sdelay $0x3  }
0x36: {  	p1 =	seq.s32 s10, $0x1;
	s10 =	sld [smem:$0x3FBB];
	_ =	sdelay $0x3  }
0x37: {  	[smem:$0x3FBB] =	sst s10  }
0x38: {  	s10 =	sld [smem:$0x3FBC]  }
0x39: {  	_ = 	snop;
	(pc) =	sbr.ind lr, $3  }
0x3a: {  	_ = 	snop  }
0x3b: {  	_ = 	snop  }
0x3c: {  	p2 =	seq.s32 s10, $0x1;
	s10 =	sld [smem:$0x3FBB]  }
0x3d: {  	_ =	shalt  }
0x3e: {  	_ =	shalt  }
0x3f: {  	_ =	shalt  }
0x40: {  	_ =	shalt  }
0x41: {  	_ =	shalt  }
0x42: {  	_ =	shalt  }
0x43: {  	_ =	shalt  }
0x44: {  	_ =	shalt  }
0x45: {  	_ =	shalt  }
0x46: {  	_ =	shalt  }
0x47: {  	_ =	shalt  }
0x48: {  	_ =	shalt  }
0x49: {  	_ =	shalt  }
0x4a: {  	_ =	shalt  }
0x4b: {  	_ =	shalt  }
0x4c: {  	_ =	shalt  }
0x4d: {  	_ =	shalt  }
0x4e: {  	_ =	shalt  }
0x4f: {  	_ =	shalt  }
0x50: {  	_ =	shalt  }
0x51: {  	_ =	shalt  }
0x52: {  	_ =	shalt  }
0x53: {  	_ =	shalt  }
0x54: {  	_ =	shalt  }
0x55: {  	_ =	shalt  }
0x56: {  	_ =	shalt  }
0x57: {  	_ =	shalt  }
0x58: {  	_ =	shalt  }
0x59: {  	_ =	shalt  }
0x5a: {  	_ =	shalt  }
0x5b: {  	_ =	shalt  }
0x5c: {  	_ =	shalt  }
0x5d: {  	_ =	shalt  }
0x5e: {  	_ =	shalt  }
0x5f: {  	_ =	shalt  }
0x60: {  	_ =	shalt  }
0x61: {  	_ =	shalt  }
0x62: {  	_ =	shalt  }
0x63: {  	_ =	shalt  }
0x64: {  	_ =	shalt  }
0x65: {  	_ =	shalt  }
0x66: {  	_ =	shalt  }
0x67: {  	_ =	shalt  }
0x68: {  	_ =	shalt  }
0x69: {  	_ =	shalt  }
0x6a: {  	_ =	shalt  }
0x6b: {  	_ =	shalt  }
0x6c: {  	_ =	shalt  }
0x6d: {  	_ =	shalt  }
0x6e: {  	_ =	shalt  }
0x6f: {  	_ =	shalt  }
0x70: {  	_ =	shalt  }
0x71: {  	_ =	shalt  }
0x72: {  	_ =	shalt  }
0x73: {  	_ =	shalt  }
0x74: {  	_ =	shalt  }
0x75: {  	_ =	shalt  }
0x76: {  	_ =	shalt  }
0x77: {  	_ =	shalt  }
0x78: {  	_ =	shalt  }
0x79: {  	_ =	shalt  }
0x7a: {  	_ =	shalt  }
0x7b: {  	_ =	shalt  }
0x7c: {  	_ =	shalt  }
0x7d: {  	_ =	shalt  }
0x7e: {  	_ =	shalt  }
0x7f: {  	_ =	shalt  }
0x80: {  	_ =	shalt  }
0x81: {  	_ =	shalt  }
0x82: {  	_ =	shalt  }
0x83: {  	_ =	shalt  }
0x84: {  	_ =	shalt  }
0x85: {  	_ =	shalt  }
0x86: {  	_ =	shalt  }
0x87: {  	_ =	shalt  }
.Lfunc_end0:
.L_simem_size_0:
called_computation_lowered:
.L_overlay_start_0:
0x88: {  	s2 =	sld [smem:$0x3FD9]  }
0x89: {  	s3 =	sld [smem:$0x3FFE];
	_ =	sdelay $0x1  }
0x8a: {  	s1 =	srdreg.scid  }
0x8b: {  	s0 =	sand.u32 $0x1, s1  }
0x8c: {  	s17 =	sshll.u32 s0, $0xA;
	s2 =	sadd.s32 s3, s2  }
0x8d: {  	s2 =	sadd.s32 s2, s17  }
0x8e: {  	[smem:$0x3FC7] =	sst s2  }
0x8f: {  	_ = 	snop  }
0x90: {  	s2 =	sld [smem:$0x3FD0];
	(tm) =	ssettm $0x1  }
0x91: {  	s18 =	sld [smem:$0x3FFB];
	_ =	sdelay $0x3  }
0x92: {  	_ =	strace s18  }
0x93: {  	s3 =	sld [smem:$0x3FFC];
	_ =	sdelay $0x3  }
0x94: {  	_ =	strace s3  }
0x95: {  	s3 =	sld [smem:$0x3FFD];
	_ =	sdelay $0x3  }
0x96: {  	_ =	strace s3  }
0x97: {  	_ =	strace $0x8FFFFFFF  }
0x98: {  	s19 =	sld [smem:$0x3FDB];
	_ =	sdelay $0x1  }
0x99: {  	s4 =	simm.s32 $_scs_section_size  }
0x9a: {  	s5 =	simm.s32 $_size__tile_overlayer_lowered;
	s6 =	simm.s32 $_tile_overlayer_lowered  }
0x9b: {  	s22 =	simm.s32 $0x1BFF;
	s21 =	sshll.u32 s6, $0x1;
	s3 =	sadd.s32 s4, s19  }
0x9c: {  	s7 =	simm.s32 $0x0;
	s20 =	sshll.u32 s5, $0x1;
	s5 =	sadd.s32 s21, s3  }
0x9d: {  	[timem:s7], [sflag:s22] =	dma.local [hbm:s5], s20  }
0x9e: {  	_ =	swait.ge [sflag:s22], s20  }
0x9f: {  	s4 =	ssub.s32 $0x0, s20;
	[sflag:s22] =	ssyncset.done $0x0  }
0xa0: {  	[sflag:s22] =	ssyncadd.s32 s4;
	_ =	sdelay $0x1  }
0xa1: {  	s23 =	simm.s32 $0x1B8B  }
0xa2: {  	_ =	swait.ge [sflag:s23], $0x1  }
0xa3: {  	[sflag:s23] =	ssyncset.done $0x0  }
0xa4: {  	s25 =	simm.s32 $0x1B8E;
	s24 =	sld [smem:$0x3FFE];
	[sflag:s23] =	ssyncadd.s32 $0xFFFFFFFF  }
0xa5: {  	s26 =	simm.s32 $execute0_lowered;
	[smem:$0x3FD2] =	sst s25  }
0xa6: {  	s5 =	sshll.u32 s26, $0x1;
	_ =	strace $0x80000046;
	[dreg:$0x1] =	wrdreg $0xFFFFFFFF  }
0xa7: {  	s28 =	simm.s32 $_size_execute0_lowered;
	s3 =	sadd.s32 s3, s5;
	[dreg:$0x0] =	wrdreg $0x0  }
0xa8: {  	s5 =	sshll.u32 s28, $0x1;
	[dreg:$0x2] =	wrdreg s3  }
0xa9: {  	[dreg:$0x3] =	wrdreg s5  }
0xaa: {  	[dreg:$0x4] =	wrdreg $0xC0  }
0xab: {  	_ =	task [dreg:s7], $0x5FFFF  }
0xac: {  	[dreg:$0x1] =	wrdreg $0xFFFFFFFF  }
0xad: {  	[dreg:$0x0] =	wrdreg $0x60  }
0xae: {  	[dreg:$0x2] =	wrdreg s2  }
0xaf: {  	[dreg:$0x3] =	wrdreg s24  }
0xb0: {  	[dreg:$0x4] =	wrdreg $0x9  }
0xb1: {  	_ =	task.clear_ibuf [dreg:s7], $0x5FFFF;
	_ =	strace $0x90000046  }
0xb2: {  	s29 =	simm.s32 $0x9;
	_ =	strace $0x80000048  }
0xb3: {  	_ =	swait.ge [sflag:s29], $0x1  }
0xb4: {  	[sflag:s29] =	ssyncadd.s32 $0xFFFFFFFF  }
0xb5: {  	_ =	strace $0x90000048  }
0xb6: {  	_ =	sfence  }
0xb7: {  	s30 =	sld [smem:$0x0];
	_ =	sdelay $0x2  }
0xb8: {  	s31 =	sshll.u32 s1, $0xD;
	s1 =	sshrl.u32 s1, $0x2  }
0xb9: {  	s3 =	sand.u32 $0x4000, s31;
	s1 =	sadd.s32 s1, s30  }
0xba: {  	s0 =	sor.u32 s3, s0;
	s1 =	sshll.u32 s1, $0x11  }
0xbb: {  	s0 =	sor.u32 s1, s0  }
0xbc: {  	s0 =	sadd.s32 $0x8F2B, s0  }
0xbd: {  	[sflag:s0] =	ssyncadd.remote.s32 $0x1  }
0xbe: {  	_ =	sfence.sel $0xFFFF  }
0xbf: {  	[dreg:$0x0] =	wrdreg $0xFFFFFFFF;
	(pc) =	sbr.abs _section_cstart, $3  }
0xc0: {  	[dreg:$0x1] =	wrdreg $0xFFFFFFFF  }
0xc1: {  	_ =	task.clear_ibuf [dreg:s7], $0x2FFFF;
	_ =	strace $0x9FFFFFFF  }
0xc2: {  	(tm) =	ssettm $0x7FFFFFFF  }
0xc3: {  	_ =	shalt  }
tec
execute0_lowered:
.L_overlay_start_1:
0x0: {  	(tag) =	ssettag $0x1  }
0x1: {  	s0 =	rddreg [dreg:$0x0]  }
0x2: {  	s1 =	rddreg [dreg:$0x1];
	s2 =	srdreg.scid  }
0x3: {  	s3 =	simm.s32 $0x0;
	s6 =	stileid.u32;
	p0 =	por $0x0, $0x0  }
0x4: {  	s31 =	simm.s32 $0x2;
	s30 =	simm.s32 $0xF88;
	s2 =	sand.u32 $0x1, s2  }
0x5: {  	s5 =	sshll.u32 s6, $0x11;
	s6 =	smul.u32 $0x1F1, s6;
	[smem:$0x7FF] =	sst s3  }
0x6: {  	s4 =	sshll.u32 s2, $0xB;
	_ =	strace $0x80000047;
	s2 =	ssub.s32 $0x2, s2  }
0x7: {  	s4 =	sor.u32 s4, s5;
	s0 =	sadd.s32 s0, s6;
	s25 =	sshrl.u32 s2, $0x1  }
0x8: {  	s1 =	sadd.s32 s4, s1;
	[dreg:$0x3] =	wrdreg s0;
	s2 =	ssub.s32 s2, s25  }
0x9: {  	s19 =	sadd.s32 $0x400, s1;
	s20 =	sadd.s32 $0x1400, s1;
	s21 =	sadd.s32 $0x2400, s1  }
0xa: {  	s22 =	sadd.s32 $0x3400, s1;
	s23 =	sadd.s32 $0x4400, s1;
	s24 =	sadd.s32 $0x5400, s1  }
0xb: {  	s26 =	sadd.s32 $0x6400, s1;
	s4 =	sadd.s32 $0x7400, s1;
	s5 =	sadd.s32 $0x8400, s1  }
0xc: {  	s6 =	sadd.s32 $0x9400, s1;
	s7 =	sadd.s32 $0xA400, s1;
	s8 =	sadd.s32 $0xB400, s1  }
0xd: {  	s9 =	sadd.s32 $0xC400, s1;
	s10 =	sadd.s32 $0xD400, s1;
	s11 =	sadd.s32 $0xE400, s1  }
0xe: {  	s12 =	sadd.s32 $0xF400, s1;
	s13 =	sadd.s32 $0x10400, s1;
	[dreg:$0x4] =	wrdreg s19  }
0xf: {  	s14 =	sadd.s32 $0x11400, s1;
	s15 =	sadd.s32 $0x12400, s1;
	[dreg:$0x5] =	wrdreg s20  }
0x10: {  	s16 =	sadd.s32 $0x13400, s1;
	s17 =	sadd.s32 $0x14400, s1;
	[dreg:$0x6] =	wrdreg s21  }
0x11: {  	s18 =	sadd.s32 $0x15400, s1;
	s2 =	smax.u32 s2, $0x1;
	[dreg:$0x7] =	wrdreg s22  }
0x12: {  	s25 =	sadd.s32 $0x1C400, s1;
	[dreg:$0x8] =	wrdreg s23;
	p1 =	sne.s32 s2, $0x1  }
.Ltmp0:
0x13: {  	s28 =	sadd.s32 $0x1E400, s1;
	[dreg:$0x9] =	wrdreg s24;
	(pc) =	sbr.rel @!p1 .LBB2_3-.Ltmp0, $4  }
0x14: {  	s29 =	sadd.s32 $0x1F400, s1;
	[dreg:$0xa] =	wrdreg s26;
	s19 =	sadd.s32 $0x16400, s1  }
0x15: {  	s20 =	sadd.s32 $0x17400, s1;
	s21 =	sadd.s32 $0x18400, s1;
	s22 =	sadd.s32 $0x19400, s1  }
0x16: {  	s23 =	sadd.s32 $0x1A400, s1;
	s24 =	sadd.s32 $0x1B400, s1;
	s26 =	sadd.s32 $0x1D400, s1  }
0x17: {  	s0 =	sadd.s32 $0xFFFFFFFF, s2;
	s2 =	simm.s32 $0x1;
	s1 =	rddreg [dreg:$0x3]  }
0x18: {  	[tilespmem:s3], [sflag:$0x2] =	stream.linear.gather [hbm4b:s1+s3], $0xF88, $0x38;
	[tilespmem:$0x4F88] =	vst v63  }
0x19: {  	_ =	swait.ge [sflag:s31], $0xF88  }
0x1a: {  	[dreg:$0xb] =	wrdreg s0;
	[sflag:s31] =	ssyncset.done $0x0  }
0x1b: {  	s1 =	rddreg [dreg:$0x4];
	[sflag:s31] =	ssyncadd.s32 $0xFFFFF078  }
0x1c: {  	[hbm4b:s1+s3] =	stream.linear.scatter [tilespmem:s30], [sflag:$0x1], $0x4000, $0x38;
	[tilespmem:$0x4F88] =	vst v63  }
0x1d: {  	s0 =	rddreg [dreg:$0x5]  }
0x1e: {  	[hbm4b:s0+s3] =	stream.linear.scatter [tilespmem:s30], [sflag:$0x1], $0x4000, $0x38;
	[tilespmem:$0x4F88] =	vst v63  }
0x1f: {  	s1 =	rddreg [dreg:$0x6]  }
0x20: {  	[hbm4b:s1+s3] =	stream.linear.scatter [tilespmem:s30], [sflag:$0x1], $0x4000, $0x38;
	[tilespmem:$0x4F88] =	vst v63  }
0x21: {  	s0 =	rddreg [dreg:$0x7]  }
0x22: {  	[hbm4b:s0+s3] =	stream.linear.scatter [tilespmem:s30], [sflag:$0x1], $0x4000, $0x38;
	[tilespmem:$0x4F88] =	vst v63  }
0x23: {  	s1 =	rddreg [dreg:$0x8]  }
0x24: {  	[hbm4b:s1+s3] =	stream.linear.scatter [tilespmem:s30], [sflag:$0x1], $0x4000, $0x38;
	[tilespmem:$0x4F88] =	vst v63  }
0x25: {  	s0 =	rddreg [dreg:$0x9]  }
0x26: {  	[hbm4b:s0+s3] =	stream.linear.scatter [tilespmem:s30], [sflag:$0x1], $0x4000, $0x38;
	[tilespmem:$0x4F88] =	vst v63  }
0x27: {  	s1 =	rddreg [dreg:$0xa]  }
0x28: {  	[hbm4b:s1+s3] =	stream.linear.scatter [tilespmem:s30], [sflag:$0x1], $0x4000, $0x38;
	[tilespmem:$0x4F88] =	vst v63  }
0x29: {  	_ = 	snop  }
0x2a: {  	[hbm4b:s4+s3] =	stream.linear.scatter [tilespmem:s30], [sflag:$0x1], $0x4000, $0x38;
	[tilespmem:$0x4F88] =	vst v63  }
0x2b: {  	_ = 	snop  }
0x2c: {  	[hbm4b:s5+s3] =	stream.linear.scatter [tilespmem:s30], [sflag:$0x1], $0x4000, $0x38;
	[tilespmem:$0x4F88] =	vst v63  }
0x2d: {  	_ = 	snop  }
0x2e: {  	[hbm4b:s6+s3] =	stream.linear.scatter [tilespmem:s30], [sflag:$0x1], $0x4000, $0x38;
	[tilespmem:$0x4F88] =	vst v63  }
0x2f: {  	_ = 	snop  }
0x30: {  	[hbm4b:s7+s3] =	stream.linear.scatter [tilespmem:s30], [sflag:$0x1], $0x4000, $0x38;
	[tilespmem:$0x4F88] =	vst v63  }
0x31: {  	_ = 	snop  }
0x32: {  	[hbm4b:s8+s3] =	stream.linear.scatter [tilespmem:s30], [sflag:$0x1], $0x4000, $0x38;
	[tilespmem:$0x4F88] =	vst v63  }
0x33: {  	_ = 	snop  }
0x34: {  	[hbm4b:s9+s3] =	stream.linear.scatter [tilespmem:s30], [sflag:$0x1], $0x4000, $0x38;
	[tilespmem:$0x4F88] =	vst v63  }
0x35: {  	_ = 	snop  }
0x36: {  	[hbm4b:s10+s3] =	stream.linear.scatter [tilespmem:s30], [sflag:$0x1], $0x4000, $0x38;
	[tilespmem:$0x4F88] =	vst v63  }
0x37: {  	_ = 	snop  }
0x38: {  	[hbm4b:s11+s3] =	stream.linear.scatter [tilespmem:s30], [sflag:$0x1], $0x4000, $0x38;
	[tilespmem:$0x4F88] =	vst v63  }
0x39: {  	_ = 	snop  }
0x3a: {  	[hbm4b:s12+s3] =	stream.linear.scatter [tilespmem:s30], [sflag:$0x1], $0x4000, $0x38;
	[tilespmem:$0x4F88] =	vst v63  }
0x3b: {  	_ = 	snop  }
0x3c: {  	[hbm4b:s13+s3] =	stream.linear.scatter [tilespmem:s30], [sflag:$0x1], $0x4000, $0x38;
	[tilespmem:$0x4F88] =	vst v63  }
0x3d: {  	_ = 	snop  }
0x3e: {  	[hbm4b:s14+s3] =	stream.linear.scatter [tilespmem:s30], [sflag:$0x1], $0x4000, $0x38;
	[tilespmem:$0x4F88] =	vst v63  }
0x3f: {  	_ = 	snop  }
0x40: {  	[hbm4b:s15+s3] =	stream.linear.scatter [tilespmem:s30], [sflag:$0x1], $0x4000, $0x38;
	[tilespmem:$0x4F88] =	vst v63  }
0x41: {  	_ = 	snop  }
0x42: {  	[hbm4b:s16+s3] =	stream.linear.scatter [tilespmem:s30], [sflag:$0x1], $0x4000, $0x38;
	[tilespmem:$0x4F88] =	vst v63  }
0x43: {  	_ = 	snop  }
0x44: {  	[hbm4b:s17+s3] =	stream.linear.scatter [tilespmem:s30], [sflag:$0x1], $0x4000, $0x38;
	[tilespmem:$0x4F88] =	vst v63  }
0x45: {  	_ = 	snop  }
0x46: {  	[hbm4b:s18+s3] =	stream.linear.scatter [tilespmem:s30], [sflag:$0x1], $0x4000, $0x38;
	[tilespmem:$0x4F88] =	vst v63  }
0x47: {  	_ = 	snop  }
0x48: {  	[hbm4b:s19+s3] =	stream.linear.scatter [tilespmem:s30], [sflag:$0x1], $0x4000, $0x38;
	[tilespmem:$0x4F88] =	vst v63  }
0x49: {  	_ = 	snop  }
0x4a: {  	[hbm4b:s20+s3] =	stream.linear.scatter [tilespmem:s30], [sflag:$0x1], $0x4000, $0x38;
	[tilespmem:$0x4F88] =	vst v63  }
0x4b: {  	_ = 	snop  }
0x4c: {  	[hbm4b:s21+s3] =	stream.linear.scatter [tilespmem:s30], [sflag:$0x1], $0x4000, $0x38;
	[tilespmem:$0x4F88] =	vst v63  }
0x4d: {  	_ = 	snop  }
0x4e: {  	[hbm4b:s22+s3] =	stream.linear.scatter [tilespmem:s30], [sflag:$0x1], $0x4000, $0x38;
	[tilespmem:$0x4F88] =	vst v63  }
0x4f: {  	_ = 	snop  }
0x50: {  	[hbm4b:s23+s3] =	stream.linear.scatter [tilespmem:s30], [sflag:$0x1], $0x4000, $0x38;
	[tilespmem:$0x4F88] =	vst v63  }
0x51: {  	_ = 	snop  }
0x52: {  	[hbm4b:s24+s3] =	stream.linear.scatter [tilespmem:s30], [sflag:$0x1], $0x4000, $0x38;
	[tilespmem:$0x4F88] =	vst v63  }
0x53: {  	_ = 	snop  }
0x54: {  	[hbm4b:s25+s3] =	stream.linear.scatter [tilespmem:s30], [sflag:$0x1], $0x4000, $0x38;
	[tilespmem:$0x4F88] =	vst v63  }
0x55: {  	_ = 	snop  }
0x56: {  	[hbm4b:s26+s3] =	stream.linear.scatter [tilespmem:s30], [sflag:$0x1], $0x4000, $0x38;
	[tilespmem:$0x4F88] =	vst v63  }
0x57: {  	_ = 	snop  }
0x58: {  	[hbm4b:s28+s3] =	stream.linear.scatter [tilespmem:s30], [sflag:$0x1], $0x4000, $0x38;
	[tilespmem:$0x4F88] =	vst v63  }
0x59: {  	_ = 	snop  }
0x5a: {  	[hbm4b:s29+s3] =	stream.linear.scatter [tilespmem:s30], [sflag:$0x1], $0x4000, $0x38;
	[tilespmem:$0x4F88] =	vst v63  }
0x5b: {  	_ =	swait.ge [sflag:s2], $0x4000  }
0x5c: {  	[sflag:s2] =	ssyncset.done $0x0  }
0x5d: {  	[sflag:s2] =	ssyncadd.s32 $0xFFFFC000  }
0x5e: {  	_ =	swait.ge [sflag:s2], $0x4000  }
0x5f: {  	[sflag:s2] =	ssyncset.done $0x0  }
0x60: {  	[sflag:s2] =	ssyncadd.s32 $0xFFFFC000  }
0x61: {  	_ =	swait.ge [sflag:s2], $0x4000  }
0x62: {  	[sflag:s2] =	ssyncset.done $0x0  }
0x63: {  	[sflag:s2] =	ssyncadd.s32 $0xFFFFC000  }
0x64: {  	_ =	swait.ge [sflag:s2], $0x4000  }
0x65: {  	[sflag:s2] =	ssyncset.done $0x0  }
0x66: {  	[sflag:s2] =	ssyncadd.s32 $0xFFFFC000  }
0x67: {  	_ =	swait.ge [sflag:s2], $0x4000  }
0x68: {  	[sflag:s2] =	ssyncset.done $0x0  }
0x69: {  	[sflag:s2] =	ssyncadd.s32 $0xFFFFC000  }
0x6a: {  	_ =	swait.ge [sflag:s2], $0x4000  }
0x6b: {  	[sflag:s2] =	ssyncset.done $0x0  }
0x6c: {  	[sflag:s2] =	ssyncadd.s32 $0xFFFFC000  }
0x6d: {  	_ =	swait.ge [sflag:s2], $0x4000  }
0x6e: {  	[sflag:s2] =	ssyncset.done $0x0  }
0x6f: {  	[sflag:s2] =	ssyncadd.s32 $0xFFFFC000  }
0x70: {  	_ =	swait.ge [sflag:s2], $0x4000  }
0x71: {  	[sflag:s2] =	ssyncset.done $0x0  }
0x72: {  	[sflag:s2] =	ssyncadd.s32 $0xFFFFC000  }
0x73: {  	_ =	swait.ge [sflag:s2], $0x4000  }
0x74: {  	[sflag:s2] =	ssyncset.done $0x0  }
0x75: {  	[sflag:s2] =	ssyncadd.s32 $0xFFFFC000  }
0x76: {  	_ =	swait.ge [sflag:s2], $0x4000  }
0x77: {  	[sflag:s2] =	ssyncset.done $0x0  }
0x78: {  	[sflag:s2] =	ssyncadd.s32 $0xFFFFC000  }
0x79: {  	_ =	swait.ge [sflag:s2], $0x4000  }
0x7a: {  	[sflag:s2] =	ssyncset.done $0x0  }
0x7b: {  	[sflag:s2] =	ssyncadd.s32 $0xFFFFC000  }
0x7c: {  	_ =	swait.ge [sflag:s2], $0x4000  }
0x7d: {  	[sflag:s2] =	ssyncset.done $0x0  }
0x7e: {  	[sflag:s2] =	ssyncadd.s32 $0xFFFFC000  }
0x7f: {  	_ =	swait.ge [sflag:s2], $0x4000  }
0x80: {  	[sflag:s2] =	ssyncset.done $0x0  }
0x81: {  	[sflag:s2] =	ssyncadd.s32 $0xFFFFC000  }
0x82: {  	_ =	swait.ge [sflag:s2], $0x4000  }
0x83: {  	[sflag:s2] =	ssyncset.done $0x0  }
0x84: {  	[sflag:s2] =	ssyncadd.s32 $0xFFFFC000  }
0x85: {  	_ =	swait.ge [sflag:s2], $0x4000  }
0x86: {  	[sflag:s2] =	ssyncset.done $0x0  }
0x87: {  	[sflag:s2] =	ssyncadd.s32 $0xFFFFC000  }
0x88: {  	_ =	swait.ge [sflag:s2], $0x4000  }
0x89: {  	[sflag:s2] =	ssyncset.done $0x0  }
0x8a: {  	[sflag:s2] =	ssyncadd.s32 $0xFFFFC000  }
0x8b: {  	_ =	swait.ge [sflag:s2], $0x4000  }
0x8c: {  	[sflag:s2] =	ssyncset.done $0x0  }
0x8d: {  	[sflag:s2] =	ssyncadd.s32 $0xFFFFC000  }
0x8e: {  	_ =	swait.ge [sflag:s2], $0x4000  }
0x8f: {  	[sflag:s2] =	ssyncset.done $0x0  }
0x90: {  	[sflag:s2] =	ssyncadd.s32 $0xFFFFC000  }
0x91: {  	_ =	swait.ge [sflag:s2], $0x4000  }
0x92: {  	[sflag:s2] =	ssyncset.done $0x0  }
0x93: {  	[sflag:s2] =	ssyncadd.s32 $0xFFFFC000  }
0x94: {  	_ =	swait.ge [sflag:s2], $0x4000  }
0x95: {  	[sflag:s2] =	ssyncset.done $0x0  }
0x96: {  	[sflag:s2] =	ssyncadd.s32 $0xFFFFC000  }
0x97: {  	_ =	swait.ge [sflag:s2], $0x4000  }
0x98: {  	[sflag:s2] =	ssyncset.done $0x0  }
0x99: {  	[sflag:s2] =	ssyncadd.s32 $0xFFFFC000  }
0x9a: {  	_ =	swait.ge [sflag:s2], $0x4000  }
0x9b: {  	[sflag:s2] =	ssyncset.done $0x0  }
0x9c: {  	[sflag:s2] =	ssyncadd.s32 $0xFFFFC000  }
0x9d: {  	_ =	swait.ge [sflag:s2], $0x4000  }
0x9e: {  	[sflag:s2] =	ssyncset.done $0x0  }
0x9f: {  	[sflag:s2] =	ssyncadd.s32 $0xFFFFC000  }
0xa0: {  	_ =	swait.ge [sflag:s2], $0x4000  }
0xa1: {  	[sflag:s2] =	ssyncset.done $0x0  }
0xa2: {  	[sflag:s2] =	ssyncadd.s32 $0xFFFFC000  }
0xa3: {  	_ =	swait.ge [sflag:s2], $0x4000  }
0xa4: {  	[sflag:s2] =	ssyncset.done $0x0  }
0xa5: {  	[sflag:s2] =	ssyncadd.s32 $0xFFFFC000  }
0xa6: {  	_ =	swait.ge [sflag:s2], $0x4000  }
0xa7: {  	[sflag:s2] =	ssyncset.done $0x0  }
0xa8: {  	[sflag:s2] =	ssyncadd.s32 $0xFFFFC000  }
0xa9: {  	_ =	swait.ge [sflag:s2], $0x4000  }
0xaa: {  	[sflag:s2] =	ssyncset.done $0x0  }
0xab: {  	[sflag:s2] =	ssyncadd.s32 $0xFFFFC000  }
0xac: {  	_ =	swait.ge [sflag:s2], $0x4000  }
0xad: {  	[sflag:s2] =	ssyncset.done $0x0  }
0xae: {  	[sflag:s2] =	ssyncadd.s32 $0xFFFFC000  }
0xaf: {  	_ =	swait.ge [sflag:s2], $0x4000  }
0xb0: {  	[sflag:s2] =	ssyncset.done $0x0  }
0xb1: {  	[sflag:s2] =	ssyncadd.s32 $0xFFFFC000  }
0xb2: {  	_ =	swait.ge [sflag:s2], $0x4000  }
0xb3: {  	[sflag:s2] =	ssyncset.done $0x0  }
0xb4: {  	[sflag:s2] =	ssyncadd.s32 $0xFFFFC000  }
0xb5: {  	_ =	swait.ge [sflag:s2], $0x4000  }
0xb6: {  	s1 =	rddreg [dreg:$0xb]  }
0xb7: {  	p1 =	sne.s32 s1, $0x1  }
.Ltmp1:
0xb8: {  	_ = 	snop;
	(pc) =	sbr.rel @!p1 .LBB2_3-.Ltmp1, $4  }
0xb9: {  	[sflag:s2] =	ssyncset.done $0x0  }
0xba: {  	[sflag:s2] =	ssyncadd.s32 $0xFFFFC000  }
0xbb: {  	p0 =	por $0x1, $0x1;
	_ =	swait.ge [sflag:s2], $0x4000  }
0xbc: {  	s0 =	sadd.s32 $0xFFFFFFFF, s1;
	s1 =	rddreg [dreg:$0x3];
	[sflag:s2] =	ssyncset.done $0x0  }
.LBB2_2:
0xbd: {  	[sflag:s2] =	ssyncadd.s32 $0xFFFFC000  }
0xbe: {  	[tilespmem:s3], [sflag:$0x2] =	stream.linear.gather [hbm4b:s1+s3], $0xF88, $0x38;
	[tilespmem:$0x4F88] =	vst v63  }
0xbf: {  	_ =	swait.ge [sflag:s31], $0xF88  }
0xc0: {  	s1 =	rddreg [dreg:$0x4];
	[sflag:s31] =	ssyncset.done $0x0  }
0xc1: {  	[sflag:s31] =	ssyncadd.s32 $0xFFFFF078;
	s31 =	smov.u32 s29;
	s29 =	smov.u32 s28  }
0xc2: {  	s28 =	smov.u32 s26;
	s26 =	smov.u32 s25;
	s25 =	smov.u32 s24  }
0xc3: {  	s24 =	smov.u32 s23;
	s23 =	smov.u32 s22;
	s22 =	smov.u32 s21  }
0xc4: {  	s21 =	smov.u32 s20;
	s20 =	smov.u32 s19;
	s19 =	smov.u32 s18  }
0xc5: {  	s18 =	smov.u32 s17;
	s17 =	smov.u32 s16;
	s16 =	smov.u32 s15  }
0xc6: {  	s15 =	smov.u32 s14;
	s14 =	smov.u32 s13;
	s13 =	smov.u32 s12  }
0xc7: {  	s12 =	smov.u32 s11;
	s11 =	smov.u32 s10;
	s10 =	smov.u32 s9  }
0xc8: {  	s9 =	smov.u32 s8;
	s8 =	smov.u32 s7;
	s7 =	smov.u32 s6  }
0xc9: {  	[hbm4b:s1+s3] =	stream.linear.scatter [tilespmem:s30], [sflag:$0x1], $0x4000, $0x38;
	[tilespmem:$0x4F88] =	vst v63  }
0xca: {  	s6 =	smov.u32 s5;
	s5 =	smov.u32 s4;
	s4 =	rddreg [dreg:$0x5]  }
0xcb: {  	[hbm4b:s4+s3] =	stream.linear.scatter [tilespmem:s30], [sflag:$0x1], $0x4000, $0x38;
	[tilespmem:$0x4F88] =	vst v63  }
0xcc: {  	s1 =	rddreg [dreg:$0x6]  }
0xcd: {  	[hbm4b:s1+s3] =	stream.linear.scatter [tilespmem:s30], [sflag:$0x1], $0x4000, $0x38;
	[tilespmem:$0x4F88] =	vst v63  }
0xce: {  	s4 =	rddreg [dreg:$0x7]  }
0xcf: {  	[hbm4b:s4+s3] =	stream.linear.scatter [tilespmem:s30], [sflag:$0x1], $0x4000, $0x38;
	[tilespmem:$0x4F88] =	vst v63  }
0xd0: {  	s1 =	rddreg [dreg:$0x8]  }
0xd1: {  	[hbm4b:s1+s3] =	stream.linear.scatter [tilespmem:s30], [sflag:$0x1], $0x4000, $0x38;
	[tilespmem:$0x4F88] =	vst v63  }
0xd2: {  	s4 =	rddreg [dreg:$0x9]  }
0xd3: {  	[hbm4b:s4+s3] =	stream.linear.scatter [tilespmem:s30], [sflag:$0x1], $0x4000, $0x38;
	[tilespmem:$0x4F88] =	vst v63  }
0xd4: {  	s1 =	rddreg [dreg:$0xa]  }
0xd5: {  	[hbm4b:s1+s3] =	stream.linear.scatter [tilespmem:s30], [sflag:$0x1], $0x4000, $0x38;
	[tilespmem:$0x4F88] =	vst v63  }
0xd6: {  	s4 =	smov.u32 s5  }
0xd7: {  	[hbm4b:s4+s3] =	stream.linear.scatter [tilespmem:s30], [sflag:$0x1], $0x4000, $0x38;
	[tilespmem:$0x4F88] =	vst v63  }
0xd8: {  	s5 =	smov.u32 s6  }
0xd9: {  	[hbm4b:s5+s3] =	stream.linear.scatter [tilespmem:s30], [sflag:$0x1], $0x4000, $0x38;
	[tilespmem:$0x4F88] =	vst v63  }
0xda: {  	s6 =	smov.u32 s7  }
0xdb: {  	[hbm4b:s6+s3] =	stream.linear.scatter [tilespmem:s30], [sflag:$0x1], $0x4000, $0x38;
	[tilespmem:$0x4F88] =	vst v63  }
0xdc: {  	s7 =	smov.u32 s8  }
0xdd: {  	[hbm4b:s7+s3] =	stream.linear.scatter [tilespmem:s30], [sflag:$0x1], $0x4000, $0x38;
	[tilespmem:$0x4F88] =	vst v63  }
0xde: {  	s8 =	smov.u32 s9  }
0xdf: {  	[hbm4b:s8+s3] =	stream.linear.scatter [tilespmem:s30], [sflag:$0x1], $0x4000, $0x38;
	[tilespmem:$0x4F88] =	vst v63  }
0xe0: {  	s9 =	smov.u32 s10  }
0xe1: {  	[hbm4b:s9+s3] =	stream.linear.scatter [tilespmem:s30], [sflag:$0x1], $0x4000, $0x38;
	[tilespmem:$0x4F88] =	vst v63  }
0xe2: {  	s10 =	smov.u32 s11  }
0xe3: {  	[hbm4b:s10+s3] =	stream.linear.scatter [tilespmem:s30], [sflag:$0x1], $0x4000, $0x38;
	[tilespmem:$0x4F88] =	vst v63  }
0xe4: {  	s11 =	smov.u32 s12  }
0xe5: {  	[hbm4b:s11+s3] =	stream.linear.scatter [tilespmem:s30], [sflag:$0x1], $0x4000, $0x38;
	[tilespmem:$0x4F88] =	vst v63  }
0xe6: {  	s12 =	smov.u32 s13  }
0xe7: {  	[hbm4b:s12+s3] =	stream.linear.scatter [tilespmem:s30], [sflag:$0x1], $0x4000, $0x38;
	[tilespmem:$0x4F88] =	vst v63  }
0xe8: {  	s13 =	smov.u32 s14  }
0xe9: {  	[hbm4b:s13+s3] =	stream.linear.scatter [tilespmem:s30], [sflag:$0x1], $0x4000, $0x38;
	[tilespmem:$0x4F88] =	vst v63  }
0xea: {  	s14 =	smov.u32 s15  }
0xeb: {  	[hbm4b:s14+s3] =	stream.linear.scatter [tilespmem:s30], [sflag:$0x1], $0x4000, $0x38;
	[tilespmem:$0x4F88] =	vst v63  }
0xec: {  	s15 =	smov.u32 s16  }
0xed: {  	[hbm4b:s15+s3] =	stream.linear.scatter [tilespmem:s30], [sflag:$0x1], $0x4000, $0x38;
	[tilespmem:$0x4F88] =	vst v63  }
0xee: {  	s16 =	smov.u32 s17  }
0xef: {  	[hbm4b:s16+s3] =	stream.linear.scatter [tilespmem:s30], [sflag:$0x1], $0x4000, $0x38;
	[tilespmem:$0x4F88] =	vst v63  }
0xf0: {  	s17 =	smov.u32 s18  }
0xf1: {  	[hbm4b:s17+s3] =	stream.linear.scatter [tilespmem:s30], [sflag:$0x1], $0x4000, $0x38;
	[tilespmem:$0x4F88] =	vst v63  }
0xf2: {  	s18 =	smov.u32 s19  }
0xf3: {  	[hbm4b:s18+s3] =	stream.linear.scatter [tilespmem:s30], [sflag:$0x1], $0x4000, $0x38;
	[tilespmem:$0x4F88] =	vst v63  }
0xf4: {  	s19 =	smov.u32 s20  }
0xf5: {  	[hbm4b:s19+s3] =	stream.linear.scatter [tilespmem:s30], [sflag:$0x1], $0x4000, $0x38;
	[tilespmem:$0x4F88] =	vst v63  }
0xf6: {  	s20 =	smov.u32 s21  }
0xf7: {  	[hbm4b:s20+s3] =	stream.linear.scatter [tilespmem:s30], [sflag:$0x1], $0x4000, $0x38;
	[tilespmem:$0x4F88] =	vst v63  }
0xf8: {  	s21 =	smov.u32 s22  }
0xf9: {  	[hbm4b:s21+s3] =	stream.linear.scatter [tilespmem:s30], [sflag:$0x1], $0x4000, $0x38;
	[tilespmem:$0x4F88] =	vst v63  }
0xfa: {  	s22 =	smov.u32 s23  }
0xfb: {  	[hbm4b:s22+s3] =	stream.linear.scatter [tilespmem:s30], [sflag:$0x1], $0x4000, $0x38;
	[tilespmem:$0x4F88] =	vst v63  }
0xfc: {  	s23 =	smov.u32 s24  }
0xfd: {  	[hbm4b:s23+s3] =	stream.linear.scatter [tilespmem:s30], [sflag:$0x1], $0x4000, $0x38;
	[tilespmem:$0x4F88] =	vst v63  }
0xfe: {  	s24 =	smov.u32 s25  }
0xff: {  	[hbm4b:s24+s3] =	stream.linear.scatter [tilespmem:s30], [sflag:$0x1], $0x4000, $0x38;
	[tilespmem:$0x4F88] =	vst v63  }
0x100: {  	s25 =	smov.u32 s26  }
0x101: {  	[hbm4b:s25+s3] =	stream.linear.scatter [tilespmem:s30], [sflag:$0x1], $0x4000, $0x38;
	[tilespmem:$0x4F88] =	vst v63  }
0x102: {  	s26 =	smov.u32 s28  }
0x103: {  	[hbm4b:s26+s3] =	stream.linear.scatter [tilespmem:s30], [sflag:$0x1], $0x4000, $0x38;
	[tilespmem:$0x4F88] =	vst v63  }
0x104: {  	s28 =	smov.u32 s29  }
0x105: {  	[hbm4b:s28+s3] =	stream.linear.scatter [tilespmem:s30], [sflag:$0x1], $0x4000, $0x38;
	[tilespmem:$0x4F88] =	vst v63  }
0x106: {  	s29 =	smov.u32 s31  }
0x107: {  	[hbm4b:s29+s3] =	stream.linear.scatter [tilespmem:s30], [sflag:$0x1], $0x4000, $0x38;
	[tilespmem:$0x4F88] =	vst v63  }
0x108: {  	_ =	swait.ge [sflag:s2], $0x4000  }
0x109: {  	[sflag:s2] =	ssyncset.done $0x0  }
0x10a: {  	[sflag:s2] =	ssyncadd.s32 $0xFFFFC000  }
0x10b: {  	_ =	swait.ge [sflag:s2], $0x4000  }
0x10c: {  	[sflag:s2] =	ssyncset.done $0x0  }
0x10d: {  	[sflag:s2] =	ssyncadd.s32 $0xFFFFC000  }
0x10e: {  	_ =	swait.ge [sflag:s2], $0x4000  }
0x10f: {  	[sflag:s2] =	ssyncset.done $0x0  }
0x110: {  	[sflag:s2] =	ssyncadd.s32 $0xFFFFC000  }
0x111: {  	_ =	swait.ge [sflag:s2], $0x4000  }
0x112: {  	[sflag:s2] =	ssyncset.done $0x0  }
0x113: {  	[sflag:s2] =	ssyncadd.s32 $0xFFFFC000  }
0x114: {  	_ =	swait.ge [sflag:s2], $0x4000  }
0x115: {  	[sflag:s2] =	ssyncset.done $0x0  }
0x116: {  	[sflag:s2] =	ssyncadd.s32 $0xFFFFC000  }
0x117: {  	_ =	swait.ge [sflag:s2], $0x4000  }
0x118: {  	[sflag:s2] =	ssyncset.done $0x0  }
0x119: {  	[sflag:s2] =	ssyncadd.s32 $0xFFFFC000  }
0x11a: {  	_ =	swait.ge [sflag:s2], $0x4000  }
0x11b: {  	[sflag:s2] =	ssyncset.done $0x0  }
0x11c: {  	[sflag:s2] =	ssyncadd.s32 $0xFFFFC000  }
0x11d: {  	_ =	swait.ge [sflag:s2], $0x4000  }
0x11e: {  	[sflag:s2] =	ssyncset.done $0x0  }
0x11f: {  	[sflag:s2] =	ssyncadd.s32 $0xFFFFC000  }
0x120: {  	_ =	swait.ge [sflag:s2], $0x4000  }
0x121: {  	[sflag:s2] =	ssyncset.done $0x0  }
0x122: {  	[sflag:s2] =	ssyncadd.s32 $0xFFFFC000  }
0x123: {  	_ =	swait.ge [sflag:s2], $0x4000  }
0x124: {  	[sflag:s2] =	ssyncset.done $0x0  }
0x125: {  	[sflag:s2] =	ssyncadd.s32 $0xFFFFC000  }
0x126: {  	_ =	swait.ge [sflag:s2], $0x4000  }
0x127: {  	[sflag:s2] =	ssyncset.done $0x0  }
0x128: {  	[sflag:s2] =	ssyncadd.s32 $0xFFFFC000  }
0x129: {  	_ =	swait.ge [sflag:s2], $0x4000  }
0x12a: {  	[sflag:s2] =	ssyncset.done $0x0  }
0x12b: {  	[sflag:s2] =	ssyncadd.s32 $0xFFFFC000  }
0x12c: {  	_ =	swait.ge [sflag:s2], $0x4000  }
0x12d: {  	[sflag:s2] =	ssyncset.done $0x0  }
0x12e: {  	[sflag:s2] =	ssyncadd.s32 $0xFFFFC000  }
0x12f: {  	_ =	swait.ge [sflag:s2], $0x4000  }
0x130: {  	[sflag:s2] =	ssyncset.done $0x0  }
0x131: {  	[sflag:s2] =	ssyncadd.s32 $0xFFFFC000  }
0x132: {  	_ =	swait.ge [sflag:s2], $0x4000  }
0x133: {  	[sflag:s2] =	ssyncset.done $0x0  }
0x134: {  	[sflag:s2] =	ssyncadd.s32 $0xFFFFC000  }
0x135: {  	_ =	swait.ge [sflag:s2], $0x4000  }
0x136: {  	[sflag:s2] =	ssyncset.done $0x0  }
0x137: {  	[sflag:s2] =	ssyncadd.s32 $0xFFFFC000  }
0x138: {  	_ =	swait.ge [sflag:s2], $0x4000  }
0x139: {  	[sflag:s2] =	ssyncset.done $0x0  }
0x13a: {  	[sflag:s2] =	ssyncadd.s32 $0xFFFFC000  }
0x13b: {  	_ =	swait.ge [sflag:s2], $0x4000  }
0x13c: {  	[sflag:s2] =	ssyncset.done $0x0  }
0x13d: {  	[sflag:s2] =	ssyncadd.s32 $0xFFFFC000  }
0x13e: {  	_ =	swait.ge [sflag:s2], $0x4000  }
0x13f: {  	[sflag:s2] =	ssyncset.done $0x0  }
0x140: {  	[sflag:s2] =	ssyncadd.s32 $0xFFFFC000  }
0x141: {  	_ =	swait.ge [sflag:s2], $0x4000  }
0x142: {  	[sflag:s2] =	ssyncset.done $0x0  }
0x143: {  	[sflag:s2] =	ssyncadd.s32 $0xFFFFC000  }
0x144: {  	_ =	swait.ge [sflag:s2], $0x4000  }
0x145: {  	[sflag:s2] =	ssyncset.done $0x0  }
0x146: {  	[sflag:s2] =	ssyncadd.s32 $0xFFFFC000  }
0x147: {  	_ =	swait.ge [sflag:s2], $0x4000  }
0x148: {  	[sflag:s2] =	ssyncset.done $0x0  }
0x149: {  	[sflag:s2] =	ssyncadd.s32 $0xFFFFC000  }
0x14a: {  	_ =	swait.ge [sflag:s2], $0x4000  }
0x14b: {  	[sflag:s2] =	ssyncset.done $0x0  }
0x14c: {  	[sflag:s2] =	ssyncadd.s32 $0xFFFFC000  }
0x14d: {  	_ =	swait.ge [sflag:s2], $0x4000  }
0x14e: {  	[sflag:s2] =	ssyncset.done $0x0  }
0x14f: {  	[sflag:s2] =	ssyncadd.s32 $0xFFFFC000  }
0x150: {  	_ =	swait.ge [sflag:s2], $0x4000  }
0x151: {  	[sflag:s2] =	ssyncset.done $0x0  }
0x152: {  	[sflag:s2] =	ssyncadd.s32 $0xFFFFC000  }
0x153: {  	_ =	swait.ge [sflag:s2], $0x4000  }
0x154: {  	[sflag:s2] =	ssyncset.done $0x0  }
0x155: {  	[sflag:s2] =	ssyncadd.s32 $0xFFFFC000  }
0x156: {  	_ =	swait.ge [sflag:s2], $0x4000  }
0x157: {  	[sflag:s2] =	ssyncset.done $0x0  }
0x158: {  	[sflag:s2] =	ssyncadd.s32 $0xFFFFC000  }
0x159: {  	_ =	swait.ge [sflag:s2], $0x4000  }
0x15a: {  	[sflag:s2] =	ssyncset.done $0x0  }
0x15b: {  	[sflag:s2] =	ssyncadd.s32 $0xFFFFC000  }
0x15c: {  	_ =	swait.ge [sflag:s2], $0x4000  }
0x15d: {  	[sflag:s2] =	ssyncset.done $0x0  }
0x15e: {  	[sflag:s2] =	ssyncadd.s32 $0xFFFFC000  }
0x15f: {  	_ =	swait.ge [sflag:s2], $0x4000  }
0x160: {  	[sflag:s2] =	ssyncset.done $0x0  }
0x161: {  	p1 =	sne.s32 s0, $0x1;
	[sflag:s2] =	ssyncadd.s32 $0xFFFFC000  }
.Ltmp2:
0x162: {  	_ =	swait.ge [sflag:s2], $0x4000;
	(pc) =	sbr.rel @p1 .LBB2_2-.Ltmp2, $4  }
0x163: {  	[sflag:s2] =	ssyncset.done $0x0  }
0x164: {  	[sflag:s2] =	ssyncadd.s32 $0xFFFFC000  }
0x165: {  	s0 =	sadd.s32 $0xFFFFFFFF, s0;
	_ =	swait.ge [sflag:s2], $0x4000  }
0x166: {  	s31 =	simm.s32 $0x2;
	s1 =	rddreg [dreg:$0x3];
	[sflag:s2] =	ssyncset.done $0x0  }
.LBB2_3:
0x167: {  	[sflag:s2] =	ssyncadd.s32 @p0 $0xFFFFC000  }
0x168: {  	[tilespmem:s3], [sflag:$0x2] =	stream.linear.gather [hbm4b:s1+s3], $0xF88, $0x38;
	[tilespmem:$0x4F88] =	vst v63  }
0x169: {  	_ =	swait.ge [sflag:s31], $0xF88  }
0x16a: {  	[sflag:s31] =	ssyncset.done $0x0  }
0x16b: {  	s0 =	rddreg [dreg:$0x4];
	[sflag:s31] =	ssyncadd.s32 $0xFFFFF078  }
0x16c: {  	[hbm4b:s0+s3] =	stream.linear.scatter [tilespmem:s30], [sflag:$0x1], $0x4000, $0x38;
	[tilespmem:$0x4F88] =	vst v63  }
0x16d: {  	s1 =	rddreg [dreg:$0x5]  }
0x16e: {  	[hbm4b:s1+s3] =	stream.linear.scatter [tilespmem:s30], [sflag:$0x1], $0x4000, $0x38;
	[tilespmem:$0x4F88] =	vst v63  }
0x16f: {  	s31 =	rddreg [dreg:$0x6]  }
0x170: {  	[hbm4b:s31+s3] =	stream.linear.scatter [tilespmem:s30], [sflag:$0x1], $0x4000, $0x38;
	[tilespmem:$0x4F88] =	vst v63  }
0x171: {  	s1 =	rddreg [dreg:$0x7]  }
0x172: {  	[hbm4b:s1+s3] =	stream.linear.scatter [tilespmem:s30], [sflag:$0x1], $0x4000, $0x38;
	[tilespmem:$0x4F88] =	vst v63  }
0x173: {  	s31 =	rddreg [dreg:$0x8]  }
0x174: {  	[hbm4b:s31+s3] =	stream.linear.scatter [tilespmem:s30], [sflag:$0x1], $0x4000, $0x38;
	[tilespmem:$0x4F88] =	vst v63  }
0x175: {  	s1 =	rddreg [dreg:$0x9]  }
0x176: {  	[hbm4b:s1+s3] =	stream.linear.scatter [tilespmem:s30], [sflag:$0x1], $0x4000, $0x38;
	[tilespmem:$0x4F88] =	vst v63  }
0x177: {  	s31 =	rddreg [dreg:$0xa]  }
0x178: {  	[hbm4b:s31+s3] =	stream.linear.scatter [tilespmem:s30], [sflag:$0x1], $0x4000, $0x38;
	[tilespmem:$0x4F88] =	vst v63  }
0x179: {  	_ = 	snop  }
0x17a: {  	[hbm4b:s4+s3] =	stream.linear.scatter [tilespmem:s30], [sflag:$0x1], $0x4000, $0x38;
	[tilespmem:$0x4F88] =	vst v63  }
0x17b: {  	_ = 	snop  }
0x17c: {  	[hbm4b:s5+s3] =	stream.linear.scatter [tilespmem:s30], [sflag:$0x1], $0x4000, $0x38;
	[tilespmem:$0x4F88] =	vst v63  }
0x17d: {  	_ = 	snop  }
0x17e: {  	[hbm4b:s6+s3] =	stream.linear.scatter [tilespmem:s30], [sflag:$0x1], $0x4000, $0x38;
	[tilespmem:$0x4F88] =	vst v63  }
0x17f: {  	_ = 	snop  }
0x180: {  	[hbm4b:s7+s3] =	stream.linear.scatter [tilespmem:s30], [sflag:$0x1], $0x4000, $0x38;
	[tilespmem:$0x4F88] =	vst v63  }
0x181: {  	_ = 	snop  }
0x182: {  	[hbm4b:s8+s3] =	stream.linear.scatter [tilespmem:s30], [sflag:$0x1], $0x4000, $0x38;
	[tilespmem:$0x4F88] =	vst v63  }
0x183: {  	_ = 	snop  }
0x184: {  	[hbm4b:s9+s3] =	stream.linear.scatter [tilespmem:s30], [sflag:$0x1], $0x4000, $0x38;
	[tilespmem:$0x4F88] =	vst v63  }
0x185: {  	_ = 	snop  }
0x186: {  	[hbm4b:s10+s3] =	stream.linear.scatter [tilespmem:s30], [sflag:$0x1], $0x4000, $0x38;
	[tilespmem:$0x4F88] =	vst v63  }
0x187: {  	_ = 	snop  }
0x188: {  	[hbm4b:s11+s3] =	stream.linear.scatter [tilespmem:s30], [sflag:$0x1], $0x4000, $0x38;
	[tilespmem:$0x4F88] =	vst v63  }
0x189: {  	_ = 	snop  }
0x18a: {  	[hbm4b:s12+s3] =	stream.linear.scatter [tilespmem:s30], [sflag:$0x1], $0x4000, $0x38;
	[tilespmem:$0x4F88] =	vst v63  }
0x18b: {  	_ = 	snop  }
0x18c: {  	[hbm4b:s13+s3] =	stream.linear.scatter [tilespmem:s30], [sflag:$0x1], $0x4000, $0x38;
	[tilespmem:$0x4F88] =	vst v63  }
0x18d: {  	_ = 	snop  }
0x18e: {  	[hbm4b:s14+s3] =	stream.linear.scatter [tilespmem:s30], [sflag:$0x1], $0x4000, $0x38;
	[tilespmem:$0x4F88] =	vst v63  }
0x18f: {  	_ = 	snop  }
0x190: {  	[hbm4b:s15+s3] =	stream.linear.scatter [tilespmem:s30], [sflag:$0x1], $0x4000, $0x38;
	[tilespmem:$0x4F88] =	vst v63  }
0x191: {  	_ = 	snop  }
0x192: {  	[hbm4b:s16+s3] =	stream.linear.scatter [tilespmem:s30], [sflag:$0x1], $0x4000, $0x38;
	[tilespmem:$0x4F88] =	vst v63  }
0x193: {  	_ = 	snop  }
0x194: {  	[hbm4b:s17+s3] =	stream.linear.scatter [tilespmem:s30], [sflag:$0x1], $0x4000, $0x38;
	[tilespmem:$0x4F88] =	vst v63  }
0x195: {  	_ = 	snop  }
0x196: {  	[hbm4b:s18+s3] =	stream.linear.scatter [tilespmem:s30], [sflag:$0x1], $0x4000, $0x38;
	[tilespmem:$0x4F88] =	vst v63  }
0x197: {  	_ = 	snop  }
0x198: {  	[hbm4b:s19+s3] =	stream.linear.scatter [tilespmem:s30], [sflag:$0x1], $0x4000, $0x38;
	[tilespmem:$0x4F88] =	vst v63  }
0x199: {  	_ = 	snop  }
0x19a: {  	[hbm4b:s20+s3] =	stream.linear.scatter [tilespmem:s30], [sflag:$0x1], $0x4000, $0x38;
	[tilespmem:$0x4F88] =	vst v63  }
0x19b: {  	_ = 	snop  }
0x19c: {  	[hbm4b:s21+s3] =	stream.linear.scatter [tilespmem:s30], [sflag:$0x1], $0x4000, $0x38;
	[tilespmem:$0x4F88] =	vst v63  }
0x19d: {  	_ = 	snop  }
0x19e: {  	[hbm4b:s22+s3] =	stream.linear.scatter [tilespmem:s30], [sflag:$0x1], $0x4000, $0x38;
	[tilespmem:$0x4F88] =	vst v63  }
0x19f: {  	_ = 	snop  }
0x1a0: {  	[hbm4b:s23+s3] =	stream.linear.scatter [tilespmem:s30], [sflag:$0x1], $0x4000, $0x38;
	[tilespmem:$0x4F88] =	vst v63  }
0x1a1: {  	_ = 	snop  }
0x1a2: {  	[hbm4b:s24+s3] =	stream.linear.scatter [tilespmem:s30], [sflag:$0x1], $0x4000, $0x38;
	[tilespmem:$0x4F88] =	vst v63  }
0x1a3: {  	_ = 	snop  }
0x1a4: {  	[hbm4b:s25+s3] =	stream.linear.scatter [tilespmem:s30], [sflag:$0x1], $0x4000, $0x38;
	[tilespmem:$0x4F88] =	vst v63  }
0x1a5: {  	_ = 	snop  }
0x1a6: {  	[hbm4b:s26+s3] =	stream.linear.scatter [tilespmem:s30], [sflag:$0x1], $0x4000, $0x38;
	[tilespmem:$0x4F88] =	vst v63  }
0x1a7: {  	_ = 	snop  }
0x1a8: {  	[hbm4b:s28+s3] =	stream.linear.scatter [tilespmem:s30], [sflag:$0x1], $0x4000, $0x38;
	[tilespmem:$0x4F88] =	vst v63  }
0x1a9: {  	_ = 	snop  }
0x1aa: {  	[hbm4b:s29+s3] =	stream.linear.scatter [tilespmem:s30], [sflag:$0x1], $0x4000, $0x38;
	[tilespmem:$0x4F88] =	vst v63  }
0x1ab: {  	_ =	swait.ge [sflag:s2], $0x4000  }
0x1ac: {  	[sflag:s2] =	ssyncset.done $0x0  }
0x1ad: {  	[sflag:s2] =	ssyncadd.s32 $0xFFFFC000  }
0x1ae: {  	_ =	swait.ge [sflag:s2], $0x4000  }
0x1af: {  	[sflag:s2] =	ssyncset.done $0x0  }
0x1b0: {  	[sflag:s2] =	ssyncadd.s32 $0xFFFFC000  }
0x1b1: {  	_ =	swait.ge [sflag:s2], $0x4000  }
0x1b2: {  	[sflag:s2] =	ssyncset.done $0x0  }
0x1b3: {  	[sflag:s2] =	ssyncadd.s32 $0xFFFFC000  }
0x1b4: {  	_ =	swait.ge [sflag:s2], $0x4000  }
0x1b5: {  	[sflag:s2] =	ssyncset.done $0x0  }
0x1b6: {  	[sflag:s2] =	ssyncadd.s32 $0xFFFFC000  }
0x1b7: {  	_ =	swait.ge [sflag:s2], $0x4000  }
0x1b8: {  	[sflag:s2] =	ssyncset.done $0x0  }
0x1b9: {  	[sflag:s2] =	ssyncadd.s32 $0xFFFFC000  }
0x1ba: {  	_ =	swait.ge [sflag:s2], $0x4000  }
0x1bb: {  	[sflag:s2] =	ssyncset.done $0x0  }
0x1bc: {  	[sflag:s2] =	ssyncadd.s32 $0xFFFFC000  }
0x1bd: {  	_ =	swait.ge [sflag:s2], $0x4000  }
0x1be: {  	[sflag:s2] =	ssyncset.done $0x0  }
0x1bf: {  	[sflag:s2] =	ssyncadd.s32 $0xFFFFC000  }
0x1c0: {  	_ =	swait.ge [sflag:s2], $0x4000  }
0x1c1: {  	[sflag:s2] =	ssyncset.done $0x0  }
0x1c2: {  	[sflag:s2] =	ssyncadd.s32 $0xFFFFC000  }
0x1c3: {  	_ =	swait.ge [sflag:s2], $0x4000  }
0x1c4: {  	[sflag:s2] =	ssyncset.done $0x0  }
0x1c5: {  	[sflag:s2] =	ssyncadd.s32 $0xFFFFC000  }
0x1c6: {  	_ =	swait.ge [sflag:s2], $0x4000  }
0x1c7: {  	[sflag:s2] =	ssyncset.done $0x0  }
0x1c8: {  	[sflag:s2] =	ssyncadd.s32 $0xFFFFC000  }
0x1c9: {  	_ =	swait.ge [sflag:s2], $0x4000  }
0x1ca: {  	[sflag:s2] =	ssyncset.done $0x0  }
0x1cb: {  	[sflag:s2] =	ssyncadd.s32 $0xFFFFC000  }
0x1cc: {  	_ =	swait.ge [sflag:s2], $0x4000  }
0x1cd: {  	[sflag:s2] =	ssyncset.done $0x0  }
0x1ce: {  	[sflag:s2] =	ssyncadd.s32 $0xFFFFC000  }
0x1cf: {  	_ =	swait.ge [sflag:s2], $0x4000  }
0x1d0: {  	[sflag:s2] =	ssyncset.done $0x0  }
0x1d1: {  	[sflag:s2] =	ssyncadd.s32 $0xFFFFC000  }
0x1d2: {  	_ =	swait.ge [sflag:s2], $0x4000  }
0x1d3: {  	[sflag:s2] =	ssyncset.done $0x0  }
0x1d4: {  	[sflag:s2] =	ssyncadd.s32 $0xFFFFC000  }
0x1d5: {  	_ =	swait.ge [sflag:s2], $0x4000  }
0x1d6: {  	[sflag:s2] =	ssyncset.done $0x0  }
0x1d7: {  	[sflag:s2] =	ssyncadd.s32 $0xFFFFC000  }
0x1d8: {  	_ =	swait.ge [sflag:s2], $0x4000  }
0x1d9: {  	[sflag:s2] =	ssyncset.done $0x0  }
0x1da: {  	[sflag:s2] =	ssyncadd.s32 $0xFFFFC000  }
0x1db: {  	_ =	swait.ge [sflag:s2], $0x4000  }
0x1dc: {  	[sflag:s2] =	ssyncset.done $0x0  }
0x1dd: {  	[sflag:s2] =	ssyncadd.s32 $0xFFFFC000  }
0x1de: {  	_ =	swait.ge [sflag:s2], $0x4000  }
0x1df: {  	[sflag:s2] =	ssyncset.done $0x0  }
0x1e0: {  	[sflag:s2] =	ssyncadd.s32 $0xFFFFC000  }
0x1e1: {  	_ =	swait.ge [sflag:s2], $0x4000  }
0x1e2: {  	[sflag:s2] =	ssyncset.done $0x0  }
0x1e3: {  	[sflag:s2] =	ssyncadd.s32 $0xFFFFC000  }
0x1e4: {  	_ =	swait.ge [sflag:s2], $0x4000  }
0x1e5: {  	[sflag:s2] =	ssyncset.done $0x0  }
0x1e6: {  	[sflag:s2] =	ssyncadd.s32 $0xFFFFC000  }
0x1e7: {  	_ =	swait.ge [sflag:s2], $0x4000  }
0x1e8: {  	[sflag:s2] =	ssyncset.done $0x0  }
0x1e9: {  	[sflag:s2] =	ssyncadd.s32 $0xFFFFC000  }
0x1ea: {  	_ =	swait.ge [sflag:s2], $0x4000  }
0x1eb: {  	[sflag:s2] =	ssyncset.done $0x0  }
0x1ec: {  	[sflag:s2] =	ssyncadd.s32 $0xFFFFC000  }
0x1ed: {  	_ =	swait.ge [sflag:s2], $0x4000  }
0x1ee: {  	[sflag:s2] =	ssyncset.done $0x0  }
0x1ef: {  	[sflag:s2] =	ssyncadd.s32 $0xFFFFC000  }
0x1f0: {  	_ =	swait.ge [sflag:s2], $0x4000  }
0x1f1: {  	[sflag:s2] =	ssyncset.done $0x0  }
0x1f2: {  	[sflag:s2] =	ssyncadd.s32 $0xFFFFC000  }
0x1f3: {  	_ =	swait.ge [sflag:s2], $0x4000  }
0x1f4: {  	[sflag:s2] =	ssyncset.done $0x0  }
0x1f5: {  	[sflag:s2] =	ssyncadd.s32 $0xFFFFC000  }
0x1f6: {  	_ =	swait.ge [sflag:s2], $0x4000  }
0x1f7: {  	[sflag:s2] =	ssyncset.done $0x0  }
0x1f8: {  	[sflag:s2] =	ssyncadd.s32 $0xFFFFC000  }
0x1f9: {  	_ =	swait.ge [sflag:s2], $0x4000  }
0x1fa: {  	[sflag:s2] =	ssyncset.done $0x0  }
0x1fb: {  	[sflag:s2] =	ssyncadd.s32 $0xFFFFC000  }
0x1fc: {  	_ =	swait.ge [sflag:s2], $0x4000  }
0x1fd: {  	[sflag:s2] =	ssyncset.done $0x0  }
0x1fe: {  	[sflag:s2] =	ssyncadd.s32 $0xFFFFC000  }
0x1ff: {  	_ =	swait.ge [sflag:s2], $0x4000  }
0x200: {  	[sflag:s2] =	ssyncset.done $0x0  }
0x201: {  	[sflag:s2] =	ssyncadd.s32 $0xFFFFC000  }
0x202: {  	_ =	swait.ge [sflag:s2], $0x4000  }
0x203: {  	[sflag:s2] =	ssyncset.done $0x0  }
0x204: {  	[sflag:s2] =	ssyncadd.s32 $0xFFFFC000  }
0x205: {  	_ =	swait.ge [sflag:s2], $0x4000  }
0x206: {  	[sflag:s2] =	ssyncset.done $0x0  }
0x207: {  	[sflag:s2] =	ssyncadd.s32 $0xFFFFC000  }
0x208: {  	_ =	swait.ge [sflag:s2], $0x4000  }
0x209: {  	[sflag:s2] =	ssyncset.done $0x0  }
0x20a: {  	[sflag:s2] =	ssyncadd.s32 $0xFFFFC000  }
0x20b: {  	_ =	sfence.sel $0x180000  }
0x20c: {  	[bflag:$0x0] =	sbarrier.arrive $0xFFFF  }
0x20d: {  	_ =	strace $0x90000047  }
0x20e: {  	s31 =	stileid.u32;
	[bflag:$0x2] =	sbarrier.arrive $0xFFFF  }
0x20f: {  	p0 =	sne.s32 s31, $0x0;
	s0 =	rddreg [dreg:$0x2]  }
0x210: {  	s0 =	sadd.s32 @!p0 $0x100000, s0  }
0x211: {  	[sflag:s0] =	ssyncadd.tile.s32 @!p0 $0x1;
	_ =	shalt  }
.Lfunc_end2:
_tile_overlayer_lowered:
.L_overlay_start_2:
0x212: {  	(tag) =	ssettag $0x2  }
0x213: {  	s0 =	rddreg [dreg:$0x0];
	s2 =	stileid.u32  }
0x214: {  	s1 =	rddreg [dreg:$0x1];
	p0 =	sne.s32 s2, $0x0  }
0x215: {  	s3 =	rddreg [dreg:$0x2];
	[bflag:$0x3] =	sbarrier.arrive $0xFFFF;
	s2 =	simm.s32 @!p0 $0x1C02  }
0x216: {  	[timem:s3], [sflag:s2] =	dma.local @!p0 [hbm:s0], s1  }
0x217: {  	s0 =	simm.s32 @!p0 $0x2  }
0x218: {  	_ =	swait.ge @!p0 [sflag:s0], s1  }
0x219: {  	s1 =	ssub.s32 @!p0 $0x0, s1;
	[sflag:s0] =	ssyncset.done @!p0 $0x0  }
0x21a: {  	[sflag:s0] =	ssyncadd.s32 @!p0 s1  }
0x21b: {  	[bflag:$0x3] =	sbarrier.arrive $0xFFFF  }
0x21c: {  	_ =	shalt  }

</sc_bundles>
